<compile_context>
chip_gen: v7x
topology: tpu7x:2x2x1
jax: 0.10.2.dev20260603
libtpu: 0.0.44.dev20260713+nightly
codegen_flags: <defaults>
</compile_context>

<pallas_src>
import functools

import jax
import jax.numpy as jnp
import numpy as np
from jax import lax
from jax.experimental import pallas as pl
from jax.experimental.pallas import tpu as pltpu
from jax.experimental.pallas import tpu_sc as plsc

N = 10000
E = 320000
D = 128
GAMMA = 10.0
_CENTERS_LEN = np.arange(0.0, 2.0, 0.1)
_CENTERS_ANG = np.arange(0.0, np.pi, 0.1)
KL = _CENTERS_LEN.shape[0]
KA = _CENTERS_ANG.shape[0]

NUM_WORKERS = 32
E_PER_W = E // NUM_WORKERS

ANG_BLOCK = 16384


def _make_sc_gather(n, off):
    n_per_w = n // NUM_WORKERS

    def body(map_hbm, angle_hbm, out_hbm, idx_v, val_v, sem):
        wid = lax.axis_index("s") * 2 + lax.axis_index("c")
        base = off + wid * n_per_w
        pltpu.sync_copy(map_hbm.at[pl.ds(base, n_per_w)], idx_v)
        pltpu.async_copy(angle_hbm.at[idx_v], val_v, sem).wait()
        pltpu.sync_copy(val_v, out_hbm.at[pl.ds(base - off, n_per_w)])

    mesh = plsc.VectorSubcoreMesh(core_axis_name="c", subcore_axis_name="s")
    return pl.kernel(
        body,
        out_type=jax.ShapeDtypeStruct((n,), jnp.float32),
        mesh=mesh,
        scratch_types=[
            pltpu.VMEM((n_per_w,), jnp.int32),
            pltpu.VMEM((n_per_w,), jnp.float32),
            pltpu.SemaphoreType.DMA,
        ],
    )


def _ang_body(buf_ref, ag_ref, w_ref, b_ref, c_ref, o_ref):
    del buf_ref
    a = ag_ref[...]
    at = a[None, :] - c_ref[...]
    expo = jnp.exp(-GAMMA * at * at)
    out = lax.dot_general(expo, w_ref[...], (((0,), (0,)), ((), ())),
                          preferred_element_type=jnp.float32)
    o_ref[...] = out + b_ref[...]


def _angle_features_chunk(buf, angle_g, w_ang, b_ang, n, block_off):
    c = jnp.asarray(_CENTERS_ANG, jnp.float32).reshape(KA, 1)
    grid = pl.cdiv(n, ANG_BLOCK)
    body = _ang_body if buf is not None else (
        lambda ag, w, b, cc, o: _ang_body(None, ag, w, b, cc, o))
    in_specs = [
        pl.BlockSpec((ANG_BLOCK,), lambda i: (i,)),
        pl.BlockSpec((KA, D), lambda i: (0, 0)),
        pl.BlockSpec((1, D), lambda i: (0, 0)),
        pl.BlockSpec((KA, 1), lambda i: (0, 0)),
    ]
    args = (angle_g, w_ang, b_ang.reshape(1, D), c)
    aliases = {}
    if buf is not None:
        in_specs = [pl.BlockSpec(memory_space=pl.ANY)] + in_specs
        args = (buf,) + args
        aliases = {0: 0}
    return pl.pallas_call(
        body,
        grid=(grid,),
        in_specs=in_specs,
        out_specs=pl.BlockSpec((ANG_BLOCK, D), lambda i: (block_off + i, 0)),
        out_shape=jax.ShapeDtypeStruct((E, D), jnp.float32),
        input_output_aliases=aliases,
    )(*args)


def _emb_contrib(x, tbl, k):
    tblq = tbl.astype(jnp.bfloat16).astype(jnp.float32)
    srow = jnp.sum(tblq, axis=1, keepdims=True)
    kcol = lax.broadcasted_iota(jnp.int32, (k, 1), 0).astype(jnp.float32)
    oh = jnp.where(x[None, :] == kcol, x[None, :], 0.0)
    return jnp.sum(oh * srow)


def _bond_body(bt_ref, bs_ref, ic_ref, len_ref, t1_ref, t2_ref, t3_ref,
               w_ref, b_ref, c_ref, o_ref):
    scalar = (_emb_contrib(bt_ref[...], t1_ref[...], 32)
              + _emb_contrib(bs_ref[...], t2_ref[...], 16)
              + _emb_contrib(ic_ref[...], t3_ref[...], 4))
    lt = len_ref[...][None, :] - c_ref[...]
    expo = jnp.exp(-GAMMA * lt * lt)
    out = lax.dot_general(expo, w_ref[...], (((0,), (0,)), ((), ())),
                          preferred_element_type=jnp.float32)
    o_ref[...] = out + b_ref[...] + scalar


def _fused_first_body(ag_ref, w_ref, b_ref, c_ref,
                      bt_ref, bs_ref, ic_ref, len_ref, t1_ref, t2_ref, t3_ref,
                      wl_ref, bl_ref, cl_ref, o_ref, bond_ref):
    _ang_body(None, ag_ref, w_ref, b_ref, c_ref, o_ref)

    @pl.when(pl.program_id(0) == 0)
    def _():
        _bond_body(bt_ref, bs_ref, ic_ref, len_ref, t1_ref, t2_ref, t3_ref,
                   wl_ref, bl_ref, cl_ref, bond_ref)


def _first_chunk_fused(angle_g, w_ang, b_ang, n,
                       bt, bs, ic, length, t1, t2, t3, w_len, b_len):
    c = jnp.asarray(_CENTERS_ANG, jnp.float32).reshape(KA, 1)
    cl = jnp.asarray(_CENTERS_LEN, jnp.float32).reshape(KL, 1)
    grid = n // ANG_BLOCK
    full = lambda i: (0, 0)
    return pl.pallas_call(
        _fused_first_body,
        grid=(grid,),
        in_specs=[
            pl.BlockSpec((ANG_BLOCK,), lambda i: (i,)),
            pl.BlockSpec((KA, D), full),
            pl.BlockSpec((1, D), full),
            pl.BlockSpec((KA, 1), full),
            pl.BlockSpec((N,), lambda i: (0,)),
            pl.BlockSpec((N,), lambda i: (0,)),
            pl.BlockSpec((N,), lambda i: (0,)),
            pl.BlockSpec((N,), lambda i: (0,)),
            pl.BlockSpec((32, D), full),
            pl.BlockSpec((16, D), full),
            pl.BlockSpec((4, D), full),
            pl.BlockSpec((KL, D), full),
            pl.BlockSpec((1, D), full),
            pl.BlockSpec((KL, 1), full),
        ],
        out_specs=[
            pl.BlockSpec((ANG_BLOCK, D), lambda i: (i, 0)),
            pl.BlockSpec((N, D), lambda i: (0, 0)),
        ],
        out_shape=[
            jax.ShapeDtypeStruct((E, D), jnp.float32),
            jax.ShapeDtypeStruct((N, D), jnp.float32),
        ],
    )(angle_g, w_ang, b_ang.reshape(1, D), c,
      bt, bs, ic, length, t1, t2, t3, w_len, b_len.reshape(1, D), cl)


def kernel(bond_type, bond_stereo, is_conjugated, length, angle, edge_index,
           node_edge_idx_map, emb_bond_type, emb_bond_stereo, emb_is_conjugated,
           W_len, b_len, W_ang, b_ang):
    map_i32 = node_edge_idx_map.astype(jnp.int32)
    row_splits = (32768, 98304, 188928)
    buf = None
    bond_features = None
    off = 0
    for n in row_splits:
        angle_g = _make_sc_gather(n, off)(map_i32, angle)
        if buf is None:
            buf, bond_features = _first_chunk_fused(
                angle_g, W_ang, b_ang, n, bond_type, bond_stereo,
                is_conjugated, length, emb_bond_type, emb_bond_stereo,
                emb_is_conjugated, W_len, b_len)
        else:
            buf = _angle_features_chunk(buf, angle_g, W_ang, b_ang, n,
                                        off // ANG_BLOCK)
        off += n
    bond_angle_features = buf
    return bond_features, bond_angle_features, edge_index

# --- scband reference (transcript-rebuilt; emitter-appended) ---
"""Pipeline reference for scband-bond-angle-graph-embedding-34076270526996 (READ-ONLY COPY).

The authoritative reference and input builder live on the scoring server;
editing this copy changes nothing except your own understanding.
"""

import jax, jax.numpy as jnp
import numpy as np

N = 10000
E = 320000
D = 128
FEAT_SIZES = {"bond_type": 32, "bond_stereo": 16, "is_conjugated": 4}
CENTERS_LEN = jnp.asarray(np.arange(0.0, 2.0, 0.1), dtype=jnp.float32)      # 20 centers
CENTERS_ANG = jnp.asarray(np.arange(0.0, np.pi, 0.1), dtype=jnp.float32)    # 32 centers
GAMMA = 10.0


def rbf(x, centers):
    # RBF expansion: exp(-gamma * (x - c)^2), matching torch RBF(centers, gamma)
    return jnp.exp(-GAMMA * (x[..., None] - centers[None, :]) ** 2)


def setup_inputs(seed: int = 0) -> dict:
    key = jax.random.key(seed)
    ks = jax.random.split(key, 14)
    inp = {}
    # categorical bond features stored as floats (module uses them both as floats and as ints)
    inp["bond_type"] = jax.random.randint(ks[0], (N,), 0, FEAT_SIZES["bond_type"]).astype(jnp.float32)
    inp["bond_stereo"] = jax.random.randint(ks[1], (N,), 0, FEAT_SIZES["bond_stereo"]).astype(jnp.float32)
    inp["is_conjugated"] = jax.random.randint(ks[2], (N,), 0, FEAT_SIZES["is_conjugated"]).astype(jnp.float32)
    inp["length"] = jax.random.uniform(ks[3], (N,), minval=0.0, maxval=2.0, dtype=jnp.float32)
    inp["angle"] = jax.random.uniform(ks[4], (E,), minval=0.0, maxval=float(np.pi), dtype=jnp.float32)
    inp["edge_index"] = jax.random.randint(ks[5], (2, E), 0, N)
    inp["node_edge_idx_map"] = jax.random.randint(ks[6], (E,), 0, E)
    # learned parameters
    inp["emb_bond_type"] = 0.02 * jax.random.normal(ks[7], (FEAT_SIZES["bond_type"], D), dtype=jnp.float32)
    inp["emb_bond_stereo"] = 0.02 * jax.random.normal(ks[8], (FEAT_SIZES["bond_stereo"], D), dtype=jnp.float32)
    inp["emb_is_conjugated"] = 0.02 * jax.random.normal(ks[9], (FEAT_SIZES["is_conjugated"], D), dtype=jnp.float32)
    inp["W_len"] = jax.random.normal(ks[10], (CENTERS_LEN.shape[0], D), dtype=jnp.float32) / np.sqrt(CENTERS_LEN.shape[0])
    inp["b_len"] = jnp.zeros((D,), dtype=jnp.float32)
    inp["W_ang"] = jax.random.normal(ks[11], (CENTERS_ANG.shape[0], D), dtype=jnp.float32) / np.sqrt(CENTERS_ANG.shape[0])
    inp["b_ang"] = jnp.zeros((D,), dtype=jnp.float32)
    return inp


def reference(bond_type, bond_stereo, is_conjugated, length, angle,
              edge_index, node_edge_idx_map,
              emb_bond_type, emb_bond_stereo, emb_is_conjugated,
              W_len, b_len, W_ang, b_ang):
    # --- BondEmbedding: out += feat @ embedding(feat.int()); then .sum(dim=0) ---
    out = 0.0
    for x, tbl in ((bond_type, emb_bond_type),
                   (bond_stereo, emb_bond_stereo),
                   (is_conjugated, emb_is_conjugated)):
        idx = jax.lax.stop_gradient(x).astype(jnp.int32)
        e = jnp.take(tbl, idx, axis=0)          # [N, D] embedding lookup
        out = out + x @ e                        # [N] @ [N, D] -> [D]
    bond_embed_scalar = out.sum(axis=0)          # faithful to out_embed.sum(dim=0)
    # --- BondLengthEmbedding: RBF -> Linear ---
    len_feat = rbf(length, CENTERS_LEN) @ W_len + b_len   # [N, D]
    bond_features = bond_embed_scalar + len_feat           # broadcast add, [N, D]
    # --- BondAngleEmbedding: RBF -> Linear ---
    ang_feat = rbf(angle, CENTERS_ANG) @ W_ang + b_ang     # [E, D]
    # --- GraphUtils.get_edge_attribute_as_edge_matrix: reorder/gather edge attrs
    #     by node_edge_idx_map (memory-bound gather) ---
    bond_angle_features = jnp.take(ang_feat, node_edge_idx_map, axis=0)  # [E, D]
    return bond_features, bond_angle_features, edge_index

if __name__ == "__main__":
    import jax
    _d = setup_inputs()
    print(jax.jit(kernel)(*tuple(_d.values())))

</pallas_src>

<mosaic_0001>
#map = affine_map<(d0, d1) -> (0)>
module attributes {stable_mosaic.version = 14 : i64} {
  func.func @body(%arg0: i32, %arg1: i32, %arg2: memref<320000xi32, #tpu.memory_space<hbm>>, %arg3: memref<320000xf32, #tpu.memory_space<hbm>>, %arg4: memref<32768xf32, #tpu.memory_space<hbm>>, %arg5: memref<1024xi32, #tpu.memory_space<vmem>>, %arg6: memref<1024xf32, #tpu.memory_space<vmem>>, %arg7: memref<!tpu.dma_semaphore, #tpu.memory_space<semaphore_mem>>) attributes {dimension_semantics = [#tpu.dimension_semantics<core_parallel>, #tpu.dimension_semantics<subcore_parallel>], iteration_bounds = array<i64: 2, 16>, scalar_prefetch = 0 : i64, scratch_operands = 3 : i64, tpu.core_type = #tpu.core_type<sc_vector_subcore>, window_params = [{transform_indices = #map}, {transform_indices = #map}, {transform_indices = #map}]} {
    %mul3A = arith.constant 2 : i32
    %mul3A_0 = arith.muli %arg1, %mul3A : i32
    %add3A = arith.addi %mul3A_0, %arg0 : i32
    %mul3A_1 = arith.constant 1024 : i32
    %mul3A_2 = arith.muli %add3A, %mul3A_1 : i32
    %add3A_3 = arith.constant 0 : i32
    %add3A_4 = arith.addi %add3A_3, %mul3A_2 : i32
    "tpu.region"() ({
      %run_scoped3A = tpu.sem_alloc : memref<!tpu.dma_semaphore, #tpu.memory_space<semaphore_mem>>
      %dma_start3A_8 = tpu.memref_slice %arg2[%add3A_4] : memref<320000xi32, #tpu.memory_space<hbm>> -> memref<1024xi32, #tpu.memory_space<hbm>>
      %dma_start3A_9 = tpu.memref_slice %arg2[%add3A_4] : memref<320000xi32, #tpu.memory_space<hbm>> -> memref<1024xi32, #tpu.memory_space<hbm>>
      tpu.enqueue_dma source(%dma_start3A_9 : memref<1024xi32, #tpu.memory_space<hbm>>) target(%arg5 : memref<1024xi32, #tpu.memory_space<vmem>>) target_semaphore(%run_scoped3A : memref<!tpu.dma_semaphore, #tpu.memory_space<semaphore_mem>>)
      %dma_wait3A_10 = tpu.memref_slice %arg2[%add3A_4] : memref<320000xi32, #tpu.memory_space<hbm>> -> memref<1024xi32, #tpu.memory_space<hbm>>
      %dma_wait3A_11 = tpu.memref_slice %arg2[%add3A_4] : memref<320000xi32, #tpu.memory_space<hbm>> -> memref<1024xi32, #tpu.memory_space<hbm>>
      tpu.wait_dma2 semaphore(%run_scoped3A : memref<!tpu.dma_semaphore, #tpu.memory_space<semaphore_mem>>) src(%dma_wait3A_11 : memref<1024xi32, #tpu.memory_space<hbm>>) dst(%arg5 : memref<1024xi32, #tpu.memory_space<vmem>>)
      tpu.yield
    }) : () -> ()
    %dma_start3A = arith.constant 0 : i32
    %dma_start3A_5 = tpu.memref_slice %arg3[%dma_start3A] : memref<320000xf32, #tpu.memory_space<hbm>> -> memref<320000xf32, #tpu.memory_space<hbm>>
    tpu.enqueue_indirect_dma source(%dma_start3A_5 : memref<320000xf32, #tpu.memory_space<hbm>>) target(%arg6 : memref<1024xf32, #tpu.memory_space<vmem>>) offsets(%arg5 : memref<1024xi32, #tpu.memory_space<vmem>>) semaphore(%arg7 : memref<!tpu.dma_semaphore, #tpu.memory_space<semaphore_mem>>)
    %dma_wait3A = arith.constant 0 : i32
    %dma_wait3A_6 = tpu.memref_slice %arg3[%dma_wait3A] : memref<320000xf32, #tpu.memory_space<hbm>> -> memref<320000xf32, #tpu.memory_space<hbm>>
    tpu.wait_indirect_dma semaphore(%arg7 : memref<!tpu.dma_semaphore, #tpu.memory_space<semaphore_mem>>) src(%dma_wait3A_6 : memref<320000xf32, #tpu.memory_space<hbm>>) dst(%arg6 : memref<1024xf32, #tpu.memory_space<vmem>>)
    %sub3A = arith.constant 0 : i32
    %sub3A_7 = arith.subi %add3A_4, %sub3A : i32
    "tpu.region"() ({
      %run_scoped3A = tpu.sem_alloc : memref<!tpu.dma_semaphore, #tpu.memory_space<semaphore_mem>>
      %dma_start3A_8 = tpu.memref_slice %arg4[%sub3A_7] : memref<32768xf32, #tpu.memory_space<hbm>> -> memref<1024xf32, #tpu.memory_space<hbm>>
      %dma_start3A_9 = tpu.memref_slice %arg4[%sub3A_7] : memref<32768xf32, #tpu.memory_space<hbm>> -> memref<1024xf32, #tpu.memory_space<hbm>>
      tpu.enqueue_dma source(%arg6 : memref<1024xf32, #tpu.memory_space<vmem>>) target(%dma_start3A_9 : memref<1024xf32, #tpu.memory_space<hbm>>) target_semaphore(%run_scoped3A : memref<!tpu.dma_semaphore, #tpu.memory_space<semaphore_mem>>)
      %dma_wait3A_10 = tpu.memref_slice %arg4[%sub3A_7] : memref<32768xf32, #tpu.memory_space<hbm>> -> memref<1024xf32, #tpu.memory_space<hbm>>
      %dma_wait3A_11 = tpu.memref_slice %arg4[%sub3A_7] : memref<32768xf32, #tpu.memory_space<hbm>> -> memref<1024xf32, #tpu.memory_space<hbm>>
      tpu.wait_dma2 semaphore(%run_scoped3A : memref<!tpu.dma_semaphore, #tpu.memory_space<semaphore_mem>>) src(%arg6 : memref<1024xf32, #tpu.memory_space<vmem>>) dst(%dma_wait3A_11 : memref<1024xf32, #tpu.memory_space<hbm>>)
      tpu.yield
    }) : () -> ()
    return
  }
}

#map = affine_map<(d0, d1) -> (0)>
module attributes {stable_mosaic.version = 14 : i64} {
  func.func @body(%arg0: i32, %arg1: i32, %arg2: memref<320000xi32, #tpu.memory_space<hbm>>, %arg3: memref<320000xf32, #tpu.memory_space<hbm>>, %arg4: memref<98304xf32, #tpu.memory_space<hbm>>, %arg5: memref<3072xi32, #tpu.memory_space<vmem>>, %arg6: memref<3072xf32, #tpu.memory_space<vmem>>, %arg7: memref<!tpu.dma_semaphore, #tpu.memory_space<semaphore_mem>>) attributes {dimension_semantics = [#tpu.dimension_semantics<core_parallel>, #tpu.dimension_semantics<subcore_parallel>], iteration_bounds = array<i64: 2, 16>, scalar_prefetch = 0 : i64, scratch_operands = 3 : i64, tpu.core_type = #tpu.core_type<sc_vector_subcore>, window_params = [{transform_indices = #map}, {transform_indices = #map}, {transform_indices = #map}]} {
    %mul3A = arith.constant 2 : i32
    %mul3A_0 = arith.muli %arg1, %mul3A : i32
    %add3A = arith.addi %mul3A_0, %arg0 : i32
    %mul3A_1 = arith.constant 3072 : i32
    %mul3A_2 = arith.muli %add3A, %mul3A_1 : i32
    %add3A_3 = arith.constant 32768 : i32
    %add3A_4 = arith.addi %add3A_3, %mul3A_2 : i32
    "tpu.region"() ({
      %run_scoped3A = tpu.sem_alloc : memref<!tpu.dma_semaphore, #tpu.memory_space<semaphore_mem>>
      %dma_start3A_8 = tpu.memref_slice %arg2[%add3A_4] : memref<320000xi32, #tpu.memory_space<hbm>> -> memref<3072xi32, #tpu.memory_space<hbm>>
      %dma_start3A_9 = tpu.memref_slice %arg2[%add3A_4] : memref<320000xi32, #tpu.memory_space<hbm>> -> memref<3072xi32, #tpu.memory_space<hbm>>
      tpu.enqueue_dma source(%dma_start3A_9 : memref<3072xi32, #tpu.memory_space<hbm>>) target(%arg5 : memref<3072xi32, #tpu.memory_space<vmem>>) target_semaphore(%run_scoped3A : memref<!tpu.dma_semaphore, #tpu.memory_space<semaphore_mem>>)
      %dma_wait3A_10 = tpu.memref_slice %arg2[%add3A_4] : memref<320000xi32, #tpu.memory_space<hbm>> -> memref<3072xi32, #tpu.memory_space<hbm>>
      %dma_wait3A_11 = tpu.memref_slice %arg2[%add3A_4] : memref<320000xi32, #tpu.memory_space<hbm>> -> memref<3072xi32, #tpu.memory_space<hbm>>
      tpu.wait_dma2 semaphore(%run_scoped3A : memref<!tpu.dma_semaphore, #tpu.memory_space<semaphore_mem>>) src(%dma_wait3A_11 : memref<3072xi32, #tpu.memory_space<hbm>>) dst(%arg5 : memref<3072xi32, #tpu.memory_space<vmem>>)
      tpu.yield
    }) : () -> ()
    %dma_start3A = arith.constant 0 : i32
    %dma_start3A_5 = tpu.memref_slice %arg3[%dma_start3A] : memref<320000xf32, #tpu.memory_space<hbm>> -> memref<320000xf32, #tpu.memory_space<hbm>>
    tpu.enqueue_indirect_dma source(%dma_start3A_5 : memref<320000xf32, #tpu.memory_space<hbm>>) target(%arg6 : memref<3072xf32, #tpu.memory_space<vmem>>) offsets(%arg5 : memref<3072xi32, #tpu.memory_space<vmem>>) semaphore(%arg7 : memref<!tpu.dma_semaphore, #tpu.memory_space<semaphore_mem>>)
    %dma_wait3A = arith.constant 0 : i32
    %dma_wait3A_6 = tpu.memref_slice %arg3[%dma_wait3A] : memref<320000xf32, #tpu.memory_space<hbm>> -> memref<320000xf32, #tpu.memory_space<hbm>>
    tpu.wait_indirect_dma semaphore(%arg7 : memref<!tpu.dma_semaphore, #tpu.memory_space<semaphore_mem>>) src(%dma_wait3A_6 : memref<320000xf32, #tpu.memory_space<hbm>>) dst(%arg6 : memref<3072xf32, #tpu.memory_space<vmem>>)
    %sub3A = arith.constant 32768 : i32
    %sub3A_7 = arith.subi %add3A_4, %sub3A : i32
    "tpu.region"() ({
      %run_scoped3A = tpu.sem_alloc : memref<!tpu.dma_semaphore, #tpu.memory_space<semaphore_mem>>
      %dma_start3A_8 = tpu.memref_slice %arg4[%sub3A_7] : memref<98304xf32, #tpu.memory_space<hbm>> -> memref<3072xf32, #tpu.memory_space<hbm>>
      %dma_start3A_9 = tpu.memref_slice %arg4[%sub3A_7] : memref<98304xf32, #tpu.memory_space<hbm>> -> memref<3072xf32, #tpu.memory_space<hbm>>
      tpu.enqueue_dma source(%arg6 : memref<3072xf32, #tpu.memory_space<vmem>>) target(%dma_start3A_9 : memref<3072xf32, #tpu.memory_space<hbm>>) target_semaphore(%run_scoped3A : memref<!tpu.dma_semaphore, #tpu.memory_space<semaphore_mem>>)
      %dma_wait3A_10 = tpu.memref_slice %arg4[%sub3A_7] : memref<98304xf32, #tpu.memory_space<hbm>> -> memref<3072xf32, #tpu.memory_space<hbm>>
      %dma_wait3A_11 = tpu.memref_slice %arg4[%sub3A_7] : memref<98304xf32, #tpu.memory_space<hbm>> -> memref<3072xf32, #tpu.memory_space<hbm>>
      tpu.wait_dma2 semaphore(%run_scoped3A : memref<!tpu.dma_semaphore, #tpu.memory_space<semaphore_mem>>) src(%arg6 : memref<3072xf32, #tpu.memory_space<vmem>>) dst(%dma_wait3A_11 : memref<3072xf32, #tpu.memory_space<hbm>>)
      tpu.yield
    }) : () -> ()
    return
  }
}

#map = affine_map<(d0, d1) -> (0)>
module attributes {stable_mosaic.version = 14 : i64} {
  func.func @body(%arg0: i32, %arg1: i32, %arg2: memref<320000xi32, #tpu.memory_space<hbm>>, %arg3: memref<320000xf32, #tpu.memory_space<hbm>>, %arg4: memref<188928xf32, #tpu.memory_space<hbm>>, %arg5: memref<5904xi32, #tpu.memory_space<vmem>>, %arg6: memref<5904xf32, #tpu.memory_space<vmem>>, %arg7: memref<!tpu.dma_semaphore, #tpu.memory_space<semaphore_mem>>) attributes {dimension_semantics = [#tpu.dimension_semantics<core_parallel>, #tpu.dimension_semantics<subcore_parallel>], iteration_bounds = array<i64: 2, 16>, scalar_prefetch = 0 : i64, scratch_operands = 3 : i64, tpu.core_type = #tpu.core_type<sc_vector_subcore>, window_params = [{transform_indices = #map}, {transform_indices = #map}, {transform_indices = #map}]} {
    %mul3A = arith.constant 2 : i32
    %mul3A_0 = arith.muli %arg1, %mul3A : i32
    %add3A = arith.addi %mul3A_0, %arg0 : i32
    %mul3A_1 = arith.constant 5904 : i32
    %mul3A_2 = arith.muli %add3A, %mul3A_1 : i32
    %add3A_3 = arith.constant 131072 : i32
    %add3A_4 = arith.addi %add3A_3, %mul3A_2 : i32
    "tpu.region"() ({
      %run_scoped3A = tpu.sem_alloc : memref<!tpu.dma_semaphore, #tpu.memory_space<semaphore_mem>>
      %dma_start3A_8 = tpu.memref_slice %arg2[%add3A_4] : memref<320000xi32, #tpu.memory_space<hbm>> -> memref<5904xi32, #tpu.memory_space<hbm>>
      %dma_start3A_9 = tpu.memref_slice %arg2[%add3A_4] : memref<320000xi32, #tpu.memory_space<hbm>> -> memref<5904xi32, #tpu.memory_space<hbm>>
      tpu.enqueue_dma source(%dma_start3A_9 : memref<5904xi32, #tpu.memory_space<hbm>>) target(%arg5 : memref<5904xi32, #tpu.memory_space<vmem>>) target_semaphore(%run_scoped3A : memref<!tpu.dma_semaphore, #tpu.memory_space<semaphore_mem>>)
      %dma_wait3A_10 = tpu.memref_slice %arg2[%add3A_4] : memref<320000xi32, #tpu.memory_space<hbm>> -> memref<5904xi32, #tpu.memory_space<hbm>>
      %dma_wait3A_11 = tpu.memref_slice %arg2[%add3A_4] : memref<320000xi32, #tpu.memory_space<hbm>> -> memref<5904xi32, #tpu.memory_space<hbm>>
      tpu.wait_dma2 semaphore(%run_scoped3A : memref<!tpu.dma_semaphore, #tpu.memory_space<semaphore_mem>>) src(%dma_wait3A_11 : memref<5904xi32, #tpu.memory_space<hbm>>) dst(%arg5 : memref<5904xi32, #tpu.memory_space<vmem>>)
      tpu.yield
    }) : () -> ()
    %dma_start3A = arith.constant 0 : i32
    %dma_start3A_5 = tpu.memref_slice %arg3[%dma_start3A] : memref<320000xf32, #tpu.memory_space<hbm>> -> memref<320000xf32, #tpu.memory_space<hbm>>
    tpu.enqueue_indirect_dma source(%dma_start3A_5 : memref<320000xf32, #tpu.memory_space<hbm>>) target(%arg6 : memref<5904xf32, #tpu.memory_space<vmem>>) offsets(%arg5 : memref<5904xi32, #tpu.memory_space<vmem>>) semaphore(%arg7 : memref<!tpu.dma_semaphore, #tpu.memory_space<semaphore_mem>>)
    %dma_wait3A = arith.constant 0 : i32
    %dma_wait3A_6 = tpu.memref_slice %arg3[%dma_wait3A] : memref<320000xf32, #tpu.memory_space<hbm>> -> memref<320000xf32, #tpu.memory_space<hbm>>
    tpu.wait_indirect_dma semaphore(%arg7 : memref<!tpu.dma_semaphore, #tpu.memory_space<semaphore_mem>>) src(%dma_wait3A_6 : memref<320000xf32, #tpu.memory_space<hbm>>) dst(%arg6 : memref<5904xf32, #tpu.memory_space<vmem>>)
    %sub3A = arith.constant 131072 : i32
    %sub3A_7 = arith.subi %add3A_4, %sub3A : i32
    "tpu.region"() ({
      %run_scoped3A = tpu.sem_alloc : memref<!tpu.dma_semaphore, #tpu.memory_space<semaphore_mem>>
      %dma_start3A_8 = tpu.memref_slice %arg4[%sub3A_7] : memref<188928xf32, #tpu.memory_space<hbm>> -> memref<5904xf32, #tpu.memory_space<hbm>>
      %dma_start3A_9 = tpu.memref_slice %arg4[%sub3A_7] : memref<188928xf32, #tpu.memory_space<hbm>> -> memref<5904xf32, #tpu.memory_space<hbm>>
      tpu.enqueue_dma source(%arg6 : memref<5904xf32, #tpu.memory_space<vmem>>) target(%dma_start3A_9 : memref<5904xf32, #tpu.memory_space<hbm>>) target_semaphore(%run_scoped3A : memref<!tpu.dma_semaphore, #tpu.memory_space<semaphore_mem>>)
      %dma_wait3A_10 = tpu.memref_slice %arg4[%sub3A_7] : memref<188928xf32, #tpu.memory_space<hbm>> -> memref<5904xf32, #tpu.memory_space<hbm>>
      %dma_wait3A_11 = tpu.memref_slice %arg4[%sub3A_7] : memref<188928xf32, #tpu.memory_space<hbm>> -> memref<5904xf32, #tpu.memory_space<hbm>>
      tpu.wait_dma2 semaphore(%run_scoped3A : memref<!tpu.dma_semaphore, #tpu.memory_space<semaphore_mem>>) src(%arg6 : memref<5904xf32, #tpu.memory_space<vmem>>) dst(%dma_wait3A_11 : memref<5904xf32, #tpu.memory_space<hbm>>)
      tpu.yield
    }) : () -> ()
    return
  }
}

module attributes {stable_mosaic.version = 14 : i64} {
  func.func @_ang_body(%arg0: i32, %arg1: memref<320000x128xf32, #tpu.memory_space<any>>, %arg2: memref<16384xf32, #tpu.memory_space<vmem>>, %arg3: memref<32x128xf32, #tpu.memory_space<vmem>>, %arg4: memref<1x128xf32, #tpu.memory_space<vmem>>, %arg5: memref<32x1xf32, #tpu.memory_space<vmem>>, %arg6: memref<16384x128xf32, #tpu.memory_space<vmem>>) attributes {dimension_semantics = [#tpu.dimension_semantics<arbitrary>], iteration_bounds = array<i64: 12>, scalar_prefetch = 0 : i64, scratch_operands = 0 : i64, tpu.core_type = #tpu.core_type<tc>, window_params = [{}, {transform_indices = @transform_1, window_bounds = array<i64: 16384>}, {pipeline_mode = #tpu.pipeline_mode<synchronous>, transform_indices = @transform_2, window_bounds = array<i64: 32, 128>}, {pipeline_mode = #tpu.pipeline_mode<synchronous>, transform_indices = @transform_3, window_bounds = array<i64: 1, 128>}, {pipeline_mode = #tpu.pipeline_mode<synchronous>, transform_indices = @transform_4, window_bounds = array<i64: 32, 1>}, {transform_indices = @transform_5, window_bounds = array<i64: 16384, 128>}]} {
    %get3A = arith.constant 0 : index
    %get3A_0 = vector.load %arg2[%get3A] : memref<16384xf32, #tpu.memory_space<vmem>>, vector<16384xf32>
    %broadcast_in_dim3A = vector.shape_cast %get3A_0 : vector<16384xf32> to vector<1x16384xf32>
    %get3A_1 = arith.constant 0 : index
    %get3A_2 = arith.constant 0 : index
    %get3A_3 = vector.load %arg5[%get3A_1, %get3A_2] : memref<32x1xf32, #tpu.memory_space<vmem>>, vector<32x1xf32>
    %sub3A = vector.broadcast %broadcast_in_dim3A : vector<1x16384xf32> to vector<32x16384xf32>
    %sub3A_4 = vector.broadcast %get3A_3 : vector<32x1xf32> to vector<32x16384xf32>
    %sub3A_5 = arith.subf %sub3A, %sub3A_4 : vector<32x16384xf32>
    %mul3A = arith.constant -1.000000e+01 : f32
    %mul3A_6 = vector.broadcast %mul3A : f32 to vector<32x16384xf32>
    %mul3A_7 = arith.mulf %mul3A_6, %sub3A_5 : vector<32x16384xf32>
    %mul3A_8 = arith.mulf %mul3A_7, %sub3A_5 : vector<32x16384xf32>
    %exp3A = math.exp %mul3A_8 : vector<32x16384xf32>
    %get3A_9 = arith.constant 0 : index
    %get3A_10 = arith.constant 0 : index
    %get3A_11 = vector.load %arg3[%get3A_9, %get3A_10] : memref<32x128xf32, #tpu.memory_space<vmem>>, vector<32x128xf32>
    %dot_general3A = arith.constant dense<0.000000e+00> : vector<16384x128xf32>
    %dot_general3A_12 = tpu.matmul %exp3A, %get3A_11, %dot_general3A {dimension_numbers = #tpu.dot_dimension_numbers<[0], [0], [1], [1], [0, 1, 1, 1], [], []>, transpose_lhs_hint = false} : vector<32x16384xf32>, vector<32x128xf32>, vector<16384x128xf32> -> vector<16384x128xf32>
    %get3A_13 = arith.constant 0 : index
    %get3A_14 = arith.constant 0 : index
    %get3A_15 = vector.load %arg4[%get3A_13, %get3A_14] : memref<1x128xf32, #tpu.memory_space<vmem>>, vector<1x128xf32>
    %add3A = vector.broadcast %get3A_15 : vector<1x128xf32> to vector<16384x128xf32>
    %add3A_16 = arith.addf %dot_general3A_12, %add3A : vector<16384x128xf32>
    %swap3A = arith.constant 0 : index
    %swap3A_17 = arith.constant 0 : index
    %swap3A_18 = vector.load %arg6[%swap3A, %swap3A_17] : memref<16384x128xf32, #tpu.memory_space<vmem>>, vector<16384x128xf32>
    tpu.vector_store %arg6[%swap3A, %swap3A_17], %add3A_16 {strides = array<i32>} : memref<16384x128xf32, #tpu.memory_space<vmem>>, vector<16384x128xf32>,
    return
  }
  func.func @transform_1(%arg0: i32) -> i32 {
    %c0_i32 = arith.constant 0 : i32
    return %arg0 : i32
  }
  func.func @transform_2(%arg0: i32) -> (i32, i32) {
    %c0_i32 = arith.constant 0 : i32
    %c0_i32_0 = arith.constant 0 : i32
    %c0_i32_1 = arith.constant 0 : i32
    return %c0_i32, %c0_i32_0 : i32, i32
  }
  func.func @transform_3(%arg0: i32) -> (i32, i32) {
    %c0_i32 = arith.constant 0 : i32
    %c0_i32_0 = arith.constant 0 : i32
    %c0_i32_1 = arith.constant 0 : i32
    return %c0_i32, %c0_i32_0 : i32, i32
  }
  func.func @transform_4(%arg0: i32) -> (i32, i32) {
    %c0_i32 = arith.constant 0 : i32
    %c0_i32_0 = arith.constant 0 : i32
    %c0_i32_1 = arith.constant 0 : i32
    return %c0_i32, %c0_i32_0 : i32, i32
  }
  func.func @transform_5(%arg0: i32) -> (i32, i32) {
    %add3A = arith.constant 8 : i32
    %add3A_0 = arith.addi %add3A, %arg0 : i32
    %c0_i32 = arith.constant 0 : i32
    %c0_i32_1 = arith.constant 0 : i32
    return %add3A_0, %c0_i32 : i32, i32
  }
}

module attributes {stable_mosaic.version = 14 : i64} {
  func.func @_fused_first_body(%arg0: i32, %arg1: memref<16384xf32, #tpu.memory_space<vmem>>, %arg2: memref<32x128xf32, #tpu.memory_space<vmem>>, %arg3: memref<1x128xf32, #tpu.memory_space<vmem>>, %arg4: memref<32x1xf32, #tpu.memory_space<vmem>>, %arg5: memref<10000xf32, #tpu.memory_space<vmem>>, %arg6: memref<10000xf32, #tpu.memory_space<vmem>>, %arg7: memref<10000xf32, #tpu.memory_space<vmem>>, %arg8: memref<10000xf32, #tpu.memory_space<vmem>>, %arg9: memref<32x128xf32, #tpu.memory_space<vmem>>, %arg10: memref<16x128xf32, #tpu.memory_space<vmem>>, %arg11: memref<4x128xf32, #tpu.memory_space<vmem>>, %arg12: memref<20x128xf32, #tpu.memory_space<vmem>>, %arg13: memref<1x128xf32, #tpu.memory_space<vmem>>, %arg14: memref<20x1xf32, #tpu.memory_space<vmem>>, %arg15: memref<16384x128xf32, #tpu.memory_space<vmem>>, %arg16: memref<10000x128xf32, #tpu.memory_space<vmem>>) attributes {dimension_semantics = [#tpu.dimension_semantics<arbitrary>], iteration_bounds = array<i64: 2>, scalar_prefetch = 0 : i64, scratch_operands = 0 : i64, tpu.core_type = #tpu.core_type<tc>, window_params = [{transform_indices = @transform_0, window_bounds = array<i64: 16384>}, {pipeline_mode = #tpu.pipeline_mode<synchronous>, transform_indices = @transform_1, window_bounds = array<i64: 32, 128>}, {pipeline_mode = #tpu.pipeline_mode<synchronous>, transform_indices = @transform_2, window_bounds = array<i64: 1, 128>}, {pipeline_mode = #tpu.pipeline_mode<synchronous>, transform_indices = @transform_3, window_bounds = array<i64: 32, 1>}, {pipeline_mode = #tpu.pipeline_mode<synchronous>, transform_indices = @transform_4, window_bounds = array<i64: 10000>}, {pipeline_mode = #tpu.pipeline_mode<synchronous>, transform_indices = @transform_5, window_bounds = array<i64: 10000>}, {pipeline_mode = #tpu.pipeline_mode<synchronous>, transform_indices = @transform_6, window_bounds = array<i64: 10000>}, {pipeline_mode = #tpu.pipeline_mode<synchronous>, transform_indices = @transform_7, window_bounds = array<i64: 10000>}, {pipeline_mode = #tpu.pipeline_mode<synchronous>, transform_indices = @transform_8, window_bounds = array<i64: 32, 128>}, {pipeline_mode = #tpu.pipeline_mode<synchronous>, transform_indices = @transform_9, window_bounds = array<i64: 16, 128>}, {pipeline_mode = #tpu.pipeline_mode<synchronous>, transform_indices = @transform_10, window_bounds = array<i64: 4, 128>}, {pipeline_mode = #tpu.pipeline_mode<synchronous>, transform_indices = @transform_11, window_bounds = array<i64: 20, 128>}, {pipeline_mode = #tpu.pipeline_mode<synchronous>, transform_indices = @transform_12, window_bounds = array<i64: 1, 128>}, {pipeline_mode = #tpu.pipeline_mode<synchronous>, transform_indices = @transform_13, window_bounds = array<i64: 20, 1>}, {transform_indices = @transform_14, window_bounds = array<i64: 16384, 128>}, {pipeline_mode = #tpu.pipeline_mode<synchronous>, transform_indices = @transform_15, window_bounds = array<i64: 10000, 128>}]} {
    %get3A = arith.constant 0 : index
    %get3A_0 = vector.load %arg1[%get3A] : memref<16384xf32, #tpu.memory_space<vmem>>, vector<16384xf32>
    %broadcast_in_dim3A = vector.shape_cast %get3A_0 : vector<16384xf32> to vector<1x16384xf32>
    %get3A_1 = arith.constant 0 : index
    %get3A_2 = arith.constant 0 : index
    %get3A_3 = vector.load %arg4[%get3A_1, %get3A_2] : memref<32x1xf32, #tpu.memory_space<vmem>>, vector<32x1xf32>
    %sub3A = vector.broadcast %broadcast_in_dim3A : vector<1x16384xf32> to vector<32x16384xf32>
    %sub3A_4 = vector.broadcast %get3A_3 : vector<32x1xf32> to vector<32x16384xf32>
    %sub3A_5 = arith.subf %sub3A, %sub3A_4 : vector<32x16384xf32>
    %mul3A = arith.constant -1.000000e+01 : f32
    %mul3A_6 = vector.broadcast %mul3A : f32 to vector<32x16384xf32>
    %mul3A_7 = arith.mulf %mul3A_6, %sub3A_5 : vector<32x16384xf32>
    %mul3A_8 = arith.mulf %mul3A_7, %sub3A_5 : vector<32x16384xf32>
    %exp3A = math.exp %mul3A_8 : vector<32x16384xf32>
    %get3A_9 = arith.constant 0 : index
    %get3A_10 = arith.constant 0 : index
    %get3A_11 = vector.load %arg2[%get3A_9, %get3A_10] : memref<32x128xf32, #tpu.memory_space<vmem>>, vector<32x128xf32>
    %dot_general3A = arith.constant dense<0.000000e+00> : vector<16384x128xf32>
    %dot_general3A_12 = tpu.matmul %exp3A, %get3A_11, %dot_general3A {dimension_numbers = #tpu.dot_dimension_numbers<[0], [0], [1], [1], [0, 1, 1, 1], [], []>, transpose_lhs_hint = false} : vector<32x16384xf32>, vector<32x128xf32>, vector<16384x128xf32> -> vector<16384x128xf32>
    %get3A_13 = arith.constant 0 : index
    %get3A_14 = arith.constant 0 : index
    %get3A_15 = vector.load %arg3[%get3A_13, %get3A_14] : memref<1x128xf32, #tpu.memory_space<vmem>>, vector<1x128xf32>
    %add3A = vector.broadcast %get3A_15 : vector<1x128xf32> to vector<16384x128xf32>
    %add3A_16 = arith.addf %dot_general3A_12, %add3A : vector<16384x128xf32>
    %swap3A = arith.constant 0 : index
    %swap3A_17 = arith.constant 0 : index
    %swap3A_18 = vector.load %arg15[%swap3A, %swap3A_17] : memref<16384x128xf32, #tpu.memory_space<vmem>>, vector<16384x128xf32>
    tpu.vector_store %arg15[%swap3A, %swap3A_17], %add3A_16 {strides = array<i32>} : memref<16384x128xf32, #tpu.memory_space<vmem>>, vector<16384x128xf32>,
    %eq3A = arith.constant 0 : i32
    %eq3A_19 = arith.cmpi eq, %arg0, %eq3A : i32
    %convert_element_type3A = arith.extui %eq3A_19 : i1 to i32
    %cond3A = arith.constant 0 : i32
    %cond3A_20 = arith.cmpi ne, %convert_element_type3A, %cond3A : i32
    scf.if %cond3A_20 {
      %get3A_21 = arith.constant 0 : index
      %get3A_22 = vector.load %arg5[%get3A_21] : memref<10000xf32, #tpu.memory_space<vmem>>, vector<10000xf32>
      %get3A_23 = arith.constant 0 : index
      %get3A_24 = arith.constant 0 : index
      %get3A_25 = vector.load %arg9[%get3A_23, %get3A_24] : memref<32x128xf32, #tpu.memory_space<vmem>>, vector<32x128xf32>
      %convert_element_type3A_26 = arith.truncf %get3A_25 : vector<32x128xf32> to vector<32x128xbf16>
      %convert_element_type3A_27 = arith.extf %convert_element_type3A_26 : vector<32x128xbf16> to vector<32x128xf32>
      %reduce_sum3A = arith.constant dense<0.000000e+00> : vector<32xf32>
      %reduce_sum3A_28 = vector.multi_reduction <add>, %convert_element_type3A_27, %reduce_sum3A [1] : vector<32x128xf32> to vector<32xf32>
      %broadcast_in_dim3A_29 = vector.shape_cast %reduce_sum3A_28 : vector<32xf32> to vector<32x1xf32>
      %iota3A = tpu.iota {dimensions = array<i32: 0>} : vector<32x1xi32>
      %convert_element_type3A_30 = arith.sitofp %iota3A : vector<32x1xi32> to vector<32x1xf32>
      %broadcast_in_dim3A_31 = vector.shape_cast %get3A_22 : vector<10000xf32> to vector<1x10000xf32>
      %eq3A_32 = vector.broadcast %broadcast_in_dim3A_31 : vector<1x10000xf32> to vector<32x10000xf32>
      %eq3A_33 = vector.broadcast %convert_element_type3A_30 : vector<32x1xf32> to vector<32x10000xf32>
      %eq3A_34 = arith.cmpf oeq, %eq3A_32, %eq3A_33 : vector<32x10000xf32>
      %broadcast_in_dim3A_35 = vector.shape_cast %get3A_22 : vector<10000xf32> to vector<1x10000xf32>
      %jit3A = arith.constant 0.000000e+00 : f32
      %broadcast_in_dim3A_36 = vector.shape_cast %broadcast_in_dim3A_35 : vector<1x10000xf32> to vector<1x10000xf32>
      %broadcast_in_dim3A_37 = vector.broadcast %broadcast_in_dim3A_36 : vector<1x10000xf32> to vector<32x10000xf32>
      %broadcast_in_dim3A_38 = vector.broadcast %jit3A : f32 to vector<32x10000xf32>
      %select_n3A = arith.select %eq3A_34, %broadcast_in_dim3A_37, %broadcast_in_dim3A_38 : vector<32x10000xi1>, vector<32x10000xf32>
      %mul3A_39 = vector.broadcast %broadcast_in_dim3A_29 : vector<32x1xf32> to vector<32x10000xf32>
      %mul3A_40 = arith.mulf %select_n3A, %mul3A_39 : vector<32x10000xf32>
      %reduce_sum3A_41 = vector.shape_cast %mul3A_40 : vector<32x10000xf32> to vector<1x32x10000xf32>
      %reduce_sum3A_42 = arith.constant dense<0.000000e+00> : vector<1xf32>
      %reduce_sum3A_43 = vector.multi_reduction <add>, %reduce_sum3A_41, %reduce_sum3A_42 [1, 2] : vector<1x32x10000xf32> to vector<1xf32>
      %reduce_sum3A_44 = vector.shape_cast %reduce_sum3A_43 : vector<1xf32> to vector<1x1x1xf32>
      %reduce_sum3A_45 = vector.extract %reduce_sum3A_44[0, 0, 0] : f32 from vector<1x1x1xf32>
      %get3A_46 = arith.constant 0 : index
      %get3A_47 = vector.load %arg6[%get3A_46] : memref<10000xf32, #tpu.memory_space<vmem>>, vector<10000xf32>
      %get3A_48 = arith.constant 0 : index
      %get3A_49 = arith.constant 0 : index
      %get3A_50 = vector.load %arg10[%get3A_48, %get3A_49] : memref<16x128xf32, #tpu.memory_space<vmem>>, vector<16x128xf32>
      %convert_element_type3A_51 = arith.truncf %get3A_50 : vector<16x128xf32> to vector<16x128xbf16>
      %convert_element_type3A_52 = arith.extf %convert_element_type3A_51 : vector<16x128xbf16> to vector<16x128xf32>
      %reduce_sum3A_53 = arith.constant dense<0.000000e+00> : vector<16xf32>
      %reduce_sum3A_54 = vector.multi_reduction <add>, %convert_element_type3A_52, %reduce_sum3A_53 [1] : vector<16x128xf32> to vector<16xf32>
      %broadcast_in_dim3A_55 = vector.shape_cast %reduce_sum3A_54 : vector<16xf32> to vector<16x1xf32>
      %iota3A_56 = tpu.iota {dimensions = array<i32: 0>} : vector<16x1xi32>
      %convert_element_type3A_57 = arith.sitofp %iota3A_56 : vector<16x1xi32> to vector<16x1xf32>
      %broadcast_in_dim3A_58 = vector.shape_cast %get3A_47 : vector<10000xf32> to vector<1x10000xf32>
      %eq3A_59 = vector.broadcast %broadcast_in_dim3A_58 : vector<1x10000xf32> to vector<16x10000xf32>
      %eq3A_60 = vector.broadcast %convert_element_type3A_57 : vector<16x1xf32> to vector<16x10000xf32>
      %eq3A_61 = arith.cmpf oeq, %eq3A_59, %eq3A_60 : vector<16x10000xf32>
      %broadcast_in_dim3A_62 = vector.shape_cast %get3A_47 : vector<10000xf32> to vector<1x10000xf32>
      %jit3A_63 = arith.constant 0.000000e+00 : f32
      %broadcast_in_dim3A_64 = vector.shape_cast %broadcast_in_dim3A_62 : vector<1x10000xf32> to vector<1x10000xf32>
      %broadcast_in_dim3A_65 = vector.broadcast %broadcast_in_dim3A_64 : vector<1x10000xf32> to vector<16x10000xf32>
      %broadcast_in_dim3A_66 = vector.broadcast %jit3A_63 : f32 to vector<16x10000xf32>
      %select_n3A_67 = arith.select %eq3A_61, %broadcast_in_dim3A_65, %broadcast_in_dim3A_66 : vector<16x10000xi1>, vector<16x10000xf32>
      %mul3A_68 = vector.broadcast %broadcast_in_dim3A_55 : vector<16x1xf32> to vector<16x10000xf32>
      %mul3A_69 = arith.mulf %select_n3A_67, %mul3A_68 : vector<16x10000xf32>
      %reduce_sum3A_70 = vector.shape_cast %mul3A_69 : vector<16x10000xf32> to vector<1x16x10000xf32>
      %reduce_sum3A_71 = arith.constant dense<0.000000e+00> : vector<1xf32>
      %reduce_sum3A_72 = vector.multi_reduction <add>, %reduce_sum3A_70, %reduce_sum3A_71 [1, 2] : vector<1x16x10000xf32> to vector<1xf32>
      %reduce_sum3A_73 = vector.shape_cast %reduce_sum3A_72 : vector<1xf32> to vector<1x1x1xf32>
      %reduce_sum3A_74 = vector.extract %reduce_sum3A_73[0, 0, 0] : f32 from vector<1x1x1xf32>
      %add3A_75 = arith.addf %reduce_sum3A_45, %reduce_sum3A_74 : f32
      %get3A_76 = arith.constant 0 : index
      %get3A_77 = vector.load %arg7[%get3A_76] : memref<10000xf32, #tpu.memory_space<vmem>>, vector<10000xf32>
      %get3A_78 = arith.constant 0 : index
      %get3A_79 = arith.constant 0 : index
      %get3A_80 = vector.load %arg11[%get3A_78, %get3A_79] : memref<4x128xf32, #tpu.memory_space<vmem>>, vector<4x128xf32>
      %convert_element_type3A_81 = arith.truncf %get3A_80 : vector<4x128xf32> to vector<4x128xbf16>
      %convert_element_type3A_82 = arith.extf %convert_element_type3A_81 : vector<4x128xbf16> to vector<4x128xf32>
      %reduce_sum3A_83 = arith.constant dense<0.000000e+00> : vector<4xf32>
      %reduce_sum3A_84 = vector.multi_reduction <add>, %convert_element_type3A_82, %reduce_sum3A_83 [1] : vector<4x128xf32> to vector<4xf32>
      %broadcast_in_dim3A_85 = vector.shape_cast %reduce_sum3A_84 : vector<4xf32> to vector<4x1xf32>
      %iota3A_86 = tpu.iota {dimensions = array<i32: 0>} : vector<4x1xi32>
      %convert_element_type3A_87 = arith.sitofp %iota3A_86 : vector<4x1xi32> to vector<4x1xf32>
      %broadcast_in_dim3A_88 = vector.shape_cast %get3A_77 : vector<10000xf32> to vector<1x10000xf32>
      %eq3A_89 = vector.broadcast %broadcast_in_dim3A_88 : vector<1x10000xf32> to vector<4x10000xf32>
      %eq3A_90 = vector.broadcast %convert_element_type3A_87 : vector<4x1xf32> to vector<4x10000xf32>
      %eq3A_91 = arith.cmpf oeq, %eq3A_89, %eq3A_90 : vector<4x10000xf32>
      %broadcast_in_dim3A_92 = vector.shape_cast %get3A_77 : vector<10000xf32> to vector<1x10000xf32>
      %jit3A_93 = arith.constant 0.000000e+00 : f32
      %broadcast_in_dim3A_94 = vector.shape_cast %broadcast_in_dim3A_92 : vector<1x10000xf32> to vector<1x10000xf32>
      %broadcast_in_dim3A_95 = vector.broadcast %broadcast_in_dim3A_94 : vector<1x10000xf32> to vector<4x10000xf32>
      %broadcast_in_dim3A_96 = vector.broadcast %jit3A_93 : f32 to vector<4x10000xf32>
      %select_n3A_97 = arith.select %eq3A_91, %broadcast_in_dim3A_95, %broadcast_in_dim3A_96 : vector<4x10000xi1>, vector<4x10000xf32>
      %mul3A_98 = vector.broadcast %broadcast_in_dim3A_85 : vector<4x1xf32> to vector<4x10000xf32>
      %mul3A_99 = arith.mulf %select_n3A_97, %mul3A_98 : vector<4x10000xf32>
      %reduce_sum3A_100 = vector.shape_cast %mul3A_99 : vector<4x10000xf32> to vector<1x4x10000xf32>
      %reduce_sum3A_101 = arith.constant dense<0.000000e+00> : vector<1xf32>
      %reduce_sum3A_102 = vector.multi_reduction <add>, %reduce_sum3A_100, %reduce_sum3A_101 [1, 2] : vector<1x4x10000xf32> to vector<1xf32>
      %reduce_sum3A_103 = vector.shape_cast %reduce_sum3A_102 : vector<1xf32> to vector<1x1x1xf32>
      %reduce_sum3A_104 = vector.extract %reduce_sum3A_103[0, 0, 0] : f32 from vector<1x1x1xf32>
      %add3A_105 = arith.addf %add3A_75, %reduce_sum3A_104 : f32
      %get3A_106 = arith.constant 0 : index
      %get3A_107 = vector.load %arg8[%get3A_106] : memref<10000xf32, #tpu.memory_space<vmem>>, vector<10000xf32>
      %broadcast_in_dim3A_108 = vector.shape_cast %get3A_107 : vector<10000xf32> to vector<1x10000xf32>
      %get3A_109 = arith.constant 0 : index
      %get3A_110 = arith.constant 0 : index
      %get3A_111 = vector.load %arg14[%get3A_109, %get3A_110] : memref<20x1xf32, #tpu.memory_space<vmem>>, vector<20x1xf32>
      %sub3A_112 = vector.broadcast %broadcast_in_dim3A_108 : vector<1x10000xf32> to vector<20x10000xf32>
      %sub3A_113 = vector.broadcast %get3A_111 : vector<20x1xf32> to vector<20x10000xf32>
      %sub3A_114 = arith.subf %sub3A_112, %sub3A_113 : vector<20x10000xf32>
      %mul3A_115 = arith.constant -1.000000e+01 : f32
      %mul3A_116 = vector.broadcast %mul3A_115 : f32 to vector<20x10000xf32>
      %mul3A_117 = arith.mulf %mul3A_116, %sub3A_114 : vector<20x10000xf32>
      %mul3A_118 = arith.mulf %mul3A_117, %sub3A_114 : vector<20x10000xf32>
      %exp3A_119 = math.exp %mul3A_118 : vector<20x10000xf32>
      %get3A_120 = arith.constant 0 : index
      %get3A_121 = arith.constant 0 : index
      %get3A_122 = vector.load %arg12[%get3A_120, %get3A_121] : memref<20x128xf32, #tpu.memory_space<vmem>>, vector<20x128xf32>
      %dot_general3A_123 = arith.constant dense<0.000000e+00> : vector<10000x128xf32>
      %dot_general3A_124 = tpu.matmul %exp3A_119, %get3A_122, %dot_general3A_123 {dimension_numbers = #tpu.dot_dimension_numbers<[0], [0], [1], [1], [0, 1, 1, 1], [], []>, transpose_lhs_hint = false} : vector<20x10000xf32>, vector<20x128xf32>, vector<10000x128xf32> -> vector<10000x128xf32>
      %get3A_125 = arith.constant 0 : index
      %get3A_126 = arith.constant 0 : index
      %get3A_127 = vector.load %arg13[%get3A_125, %get3A_126] : memref<1x128xf32, #tpu.memory_space<vmem>>, vector<1x128xf32>
      %add3A_128 = vector.broadcast %get3A_127 : vector<1x128xf32> to vector<10000x128xf32>
      %add3A_129 = arith.addf %dot_general3A_124, %add3A_128 : vector<10000x128xf32>
      %add3A_130 = vector.broadcast %add3A_105 : f32 to vector<10000x128xf32>
      %add3A_131 = arith.addf %add3A_129, %add3A_130 : vector<10000x128xf32>
      %swap3A_132 = arith.constant 0 : index
      %swap3A_133 = arith.constant 0 : index
      %swap3A_134 = vector.load %arg16[%swap3A_132, %swap3A_133] : memref<10000x128xf32, #tpu.memory_space<vmem>>, vector<10000x128xf32>
      tpu.vector_store %arg16[%swap3A_132, %swap3A_133], %add3A_131 {strides = array<i32>} : memref<10000x128xf32, #tpu.memory_space<vmem>>, vector<10000x128xf32>,
    } else {
    }
    return
  }
  func.func @transform_0(%arg0: i32) -> i32 {
    %c0_i32 = arith.constant 0 : i32
    return %arg0 : i32
  }
  func.func @transform_1(%arg0: i32) -> (i32, i32) {
    %c0_i32 = arith.constant 0 : i32
    %c0_i32_0 = arith.constant 0 : i32
    %c0_i32_1 = arith.constant 0 : i32
    return %c0_i32, %c0_i32_0 : i32, i32
  }
  func.func @transform_2(%arg0: i32) -> (i32, i32) {
    %c0_i32 = arith.constant 0 : i32
    %c0_i32_0 = arith.constant 0 : i32
    %c0_i32_1 = arith.constant 0 : i32
    return %c0_i32, %c0_i32_0 : i32, i32
  }
  func.func @transform_3(%arg0: i32) -> (i32, i32) {
    %c0_i32 = arith.constant 0 : i32
    %c0_i32_0 = arith.constant 0 : i32
    %c0_i32_1 = arith.constant 0 : i32
    return %c0_i32, %c0_i32_0 : i32, i32
  }
  func.func @transform_4(%arg0: i32) -> i32 {
    %c0_i32 = arith.constant 0 : i32
    %c0_i32_0 = arith.constant 0 : i32
    return %c0_i32 : i32
  }
  func.func @transform_5(%arg0: i32) -> i32 {
    %c0_i32 = arith.constant 0 : i32
    %c0_i32_0 = arith.constant 0 : i32
    return %c0_i32 : i32
  }
  func.func @transform_6(%arg0: i32) -> i32 {
    %c0_i32 = arith.constant 0 : i32
    %c0_i32_0 = arith.constant 0 : i32
    return %c0_i32 : i32
  }
  func.func @transform_7(%arg0: i32) -> i32 {
    %c0_i32 = arith.constant 0 : i32
    %c0_i32_0 = arith.constant 0 : i32
    return %c0_i32 : i32
  }
  func.func @transform_8(%arg0: i32) -> (i32, i32) {
    %c0_i32 = arith.constant 0 : i32
    %c0_i32_0 = arith.constant 0 : i32
    %c0_i32_1 = arith.constant 0 : i32
    return %c0_i32, %c0_i32_0 : i32, i32
  }
  func.func @transform_9(%arg0: i32) -> (i32, i32) {
    %c0_i32 = arith.constant 0 : i32
    %c0_i32_0 = arith.constant 0 : i32
    %c0_i32_1 = arith.constant 0 : i32
    return %c0_i32, %c0_i32_0 : i32, i32
  }
  func.func @transform_10(%arg0: i32) -> (i32, i32) {
    %c0_i32 = arith.constant 0 : i32
    %c0_i32_0 = arith.constant 0 : i32
    %c0_i32_1 = arith.constant 0 : i32
    return %c0_i32, %c0_i32_0 : i32, i32
  }
  func.func @transform_11(%arg0: i32) -> (i32, i32) {
    %c0_i32 = arith.constant 0 : i32
    %c0_i32_0 = arith.constant 0 : i32
    %c0_i32_1 = arith.constant 0 : i32
    return %c0_i32, %c0_i32_0 : i32, i32
  }
  func.func @transform_12(%arg0: i32) -> (i32, i32) {
    %c0_i32 = arith.constant 0 : i32
    %c0_i32_0 = arith.constant 0 : i32
    %c0_i32_1 = arith.constant 0 : i32
    return %c0_i32, %c0_i32_0 : i32, i32
  }
  func.func @transform_13(%arg0: i32) -> (i32, i32) {
    %c0_i32 = arith.constant 0 : i32
    %c0_i32_0 = arith.constant 0 : i32
    %c0_i32_1 = arith.constant 0 : i32
    return %c0_i32, %c0_i32_0 : i32, i32
  }
  func.func @transform_14(%arg0: i32) -> (i32, i32) {
    %c0_i32 = arith.constant 0 : i32
    %c0_i32_0 = arith.constant 0 : i32
    return %arg0, %c0_i32 : i32, i32
  }
  func.func @transform_15(%arg0: i32) -> (i32, i32) {
    %c0_i32 = arith.constant 0 : i32
    %c0_i32_0 = arith.constant 0 : i32
    %c0_i32_1 = arith.constant 0 : i32
    return %c0_i32, %c0_i32_0 : i32, i32
  }
}

module attributes {stable_mosaic.version = 14 : i64} {
  func.func @_ang_body(%arg0: i32, %arg1: memref<320000x128xf32, #tpu.memory_space<any>>, %arg2: memref<16384xf32, #tpu.memory_space<vmem>>, %arg3: memref<32x128xf32, #tpu.memory_space<vmem>>, %arg4: memref<1x128xf32, #tpu.memory_space<vmem>>, %arg5: memref<32x1xf32, #tpu.memory_space<vmem>>, %arg6: memref<16384x128xf32, #tpu.memory_space<vmem>>) attributes {dimension_semantics = [#tpu.dimension_semantics<arbitrary>], iteration_bounds = array<i64: 6>, scalar_prefetch = 0 : i64, scratch_operands = 0 : i64, tpu.core_type = #tpu.core_type<tc>, window_params = [{}, {transform_indices = @transform_1, window_bounds = array<i64: 16384>}, {pipeline_mode = #tpu.pipeline_mode<synchronous>, transform_indices = @transform_2, window_bounds = array<i64: 32, 128>}, {pipeline_mode = #tpu.pipeline_mode<synchronous>, transform_indices = @transform_3, window_bounds = array<i64: 1, 128>}, {pipeline_mode = #tpu.pipeline_mode<synchronous>, transform_indices = @transform_4, window_bounds = array<i64: 32, 1>}, {transform_indices = @transform_5, window_bounds = array<i64: 16384, 128>}]} {
    %get3A = arith.constant 0 : index
    %get3A_0 = vector.load %arg2[%get3A] : memref<16384xf32, #tpu.memory_space<vmem>>, vector<16384xf32>
    %broadcast_in_dim3A = vector.shape_cast %get3A_0 : vector<16384xf32> to vector<1x16384xf32>
    %get3A_1 = arith.constant 0 : index
    %get3A_2 = arith.constant 0 : index
    %get3A_3 = vector.load %arg5[%get3A_1, %get3A_2] : memref<32x1xf32, #tpu.memory_space<vmem>>, vector<32x1xf32>
    %sub3A = vector.broadcast %broadcast_in_dim3A : vector<1x16384xf32> to vector<32x16384xf32>
    %sub3A_4 = vector.broadcast %get3A_3 : vector<32x1xf32> to vector<32x16384xf32>
    %sub3A_5 = arith.subf %sub3A, %sub3A_4 : vector<32x16384xf32>
    %mul3A = arith.constant -1.000000e+01 : f32
    %mul3A_6 = vector.broadcast %mul3A : f32 to vector<32x16384xf32>
    %mul3A_7 = arith.mulf %mul3A_6, %sub3A_5 : vector<32x16384xf32>
    %mul3A_8 = arith.mulf %mul3A_7, %sub3A_5 : vector<32x16384xf32>
    %exp3A = math.exp %mul3A_8 : vector<32x16384xf32>
    %get3A_9 = arith.constant 0 : index
    %get3A_10 = arith.constant 0 : index
    %get3A_11 = vector.load %arg3[%get3A_9, %get3A_10] : memref<32x128xf32, #tpu.memory_space<vmem>>, vector<32x128xf32>
    %dot_general3A = arith.constant dense<0.000000e+00> : vector<16384x128xf32>
    %dot_general3A_12 = tpu.matmul %exp3A, %get3A_11, %dot_general3A {dimension_numbers = #tpu.dot_dimension_numbers<[0], [0], [1], [1], [0, 1, 1, 1], [], []>, transpose_lhs_hint = false} : vector<32x16384xf32>, vector<32x128xf32>, vector<16384x128xf32> -> vector<16384x128xf32>
    %get3A_13 = arith.constant 0 : index
    %get3A_14 = arith.constant 0 : index
    %get3A_15 = vector.load %arg4[%get3A_13, %get3A_14] : memref<1x128xf32, #tpu.memory_space<vmem>>, vector<1x128xf32>
    %add3A = vector.broadcast %get3A_15 : vector<1x128xf32> to vector<16384x128xf32>
    %add3A_16 = arith.addf %dot_general3A_12, %add3A : vector<16384x128xf32>
    %swap3A = arith.constant 0 : index
    %swap3A_17 = arith.constant 0 : index
    %swap3A_18 = vector.load %arg6[%swap3A, %swap3A_17] : memref<16384x128xf32, #tpu.memory_space<vmem>>, vector<16384x128xf32>
    tpu.vector_store %arg6[%swap3A, %swap3A_17], %add3A_16 {strides = array<i32>} : memref<16384x128xf32, #tpu.memory_space<vmem>>, vector<16384x128xf32>,
    return
  }
  func.func @transform_1(%arg0: i32) -> i32 {
    %c0_i32 = arith.constant 0 : i32
    return %arg0 : i32
  }
  func.func @transform_2(%arg0: i32) -> (i32, i32) {
    %c0_i32 = arith.constant 0 : i32
    %c0_i32_0 = arith.constant 0 : i32
    %c0_i32_1 = arith.constant 0 : i32
    return %c0_i32, %c0_i32_0 : i32, i32
  }
  func.func @transform_3(%arg0: i32) -> (i32, i32) {
    %c0_i32 = arith.constant 0 : i32
    %c0_i32_0 = arith.constant 0 : i32
    %c0_i32_1 = arith.constant 0 : i32
    return %c0_i32, %c0_i32_0 : i32, i32
  }
  func.func @transform_4(%arg0: i32) -> (i32, i32) {
    %c0_i32 = arith.constant 0 : i32
    %c0_i32_0 = arith.constant 0 : i32
    %c0_i32_1 = arith.constant 0 : i32
    return %c0_i32, %c0_i32_0 : i32, i32
  }
  func.func @transform_5(%arg0: i32) -> (i32, i32) {
    %add3A = arith.constant 2 : i32
    %add3A_0 = arith.addi %add3A, %arg0 : i32
    %c0_i32 = arith.constant 0 : i32
    %c0_i32_1 = arith.constant 0 : i32
    return %add3A_0, %c0_i32 : i32, i32
  }
}

</mosaic_0001>

<sc_bundles>
// kernel: kernel.11.cloned.1.call-start
scs
__scs_entry_jumppad:
0x0: {  	(pc) =	sbr.rel $0x88, $3  }
0x1: {  	(tag) =	ssettag $0x0;
	lr =	simm.s32 $0x1  }
0x2: {  	[smem:$0x3F93] =	sst lr;
	_ =	strace $0xD0000000  }
0x3: {  	_ = 	snop  }
0x4: {  	_ = 	snop  }
0x5: {  	_ = 	snop  }
0x6: {  	_ = 	snop  }
0x7: {  	_ = 	snop  }
__scs_overlays_trampoline_lowered:
0x8: {  	[smem:$0x3FA2] =	sst s0  }
0x9: {  	[smem:$0x3FA3] =	sst s1  }
0xa: {  	[smem:$0x3FA4] =	sst s2  }
0xb: {  	[smem:$0x3FA5] =	sst s3  }
0xc: {  	[smem:$0x3FA6] =	sst s4  }
0xd: {  	[smem:$0x3FA7] =	sst s5  }
0xe: {  	[smem:$0x3FA8] =	sst s6  }
0xf: {  	[smem:$0x3FA9] =	sst s7  }
0x10: {  	[smem:$0x3FAA] =	sst s8  }
0x11: {  	[smem:$0x3FAB] =	sst s9;
	s0 =	simm.s32 @!p0 $0x0  }
0x12: {  	s1 =	sld [smem:$0x3F91];
	s0 =	simm.s32 @p0 $0x1  }
0x13: {  	[smem:$0x3FAC] =	sst s0;
	s0 =	simm.s32 @!p1 $0x0  }
0x14: {  	s2 =	sld [smem:$0x3F90];
	s0 =	simm.s32 @p1 $0x1  }
0x15: {  	[smem:$0x3FAD] =	sst s0;
	s0 =	simm.s32 @!p2 $0x0  }
0x16: {  	s3 =	sld [smem:$0x3FDB];
	s0 =	simm.s32 @p2 $0x1  }
0x17: {  	s4 =	simm.s32 $0x1BF5;
	[smem:$0x3FAF] =	sst s0  }
0x18: {  	s0 =	sld [smem:$0x3F92];
	_ =	swait.ge [sflag:s4], $0x0  }
0x19: {  	s7 =	sld [smem:$0x3F93]  }
0x1a: {  	s8 =	sadd.s32 $0xFFFFE003, lr  }
0x1b: {  	s9 =	sadd.s32 $0xFFFFFEF7, lr;
	s5 =	simm.s32 $0xFFFFFFFF;
	p2 =	slt.u32 s8, $0xFFFFF086  }
0x1c: {  	p1 =	slt.u32 s9, $0xF7A;
	s5 =	simm.s32 @!p2 $0x0  }
0x1d: {  	s5 =	simm.s32 @p1 $0x1;
	p0 =	seq.s32 s7, s2  }
0x1e: {  	s7 =	smul.u32 @!p0 $0xF7A, s2;
	p2 =	seq.s32 @!p0 s5, $0x0  }
0x1f: {  	s9 =	smul.u32 $0xF7A, s1;
	s8 =	simm.s32 @!p0 $0x1BF5;
	p2 =	por !p2, p0  }
0x20: {  	[sflag:s8] =	ssyncset.s32 @!p0 $0xFFFFF086;
	s6 =	sadd.s32 @!p0 s3, s7;
	s7 =	simm.s32 @!p0 $0x108  }
0x21: {  	s3 =	sadd.s32 s3, s9;
	s6 =	sadd.s32 @!p0 $0x88, s6;
	s7 =	simm.s32 @p2 $0x1082  }
0x22: {  	[simem:s7], [sflag:s8] =	dma.local @!p0 [hbm:s6], $0xF7A  }
0x23: {  	s9 =	sor.u32 $0xD0000000, s2;
	s6 =	simm.s32 $0x108;
	_ =	swait.ge @!p0 [sflag:s8], $0x0  }
0x24: {  	s3 =	sadd.s32 $0x88, s3;
	s6 =	simm.s32 @!p1 $0x1082;
	[sflag:s4] =	ssyncset.s32 $0xFFFFF086  }
0x25: {  	[simem:s6], [sflag:s4] =	dma.local [hbm:s3], $0xF7A  }
0x26: {  	[smem:$0x3F93] =	sst s1;
	(tag) =	ssettag s2;
	_ =	strace s9  }
0x27: {  	s1 =	sld [smem:$0x3FA3]  }
0x28: {  	s2 =	sld [smem:$0x3FA4]  }
0x29: {  	s4 =	sld [smem:$0x3FA6]  }
0x2a: {  	p0 =	seq.s32 s5, $0x0;
	s5 =	sld [smem:$0x3FA7]  }
0x2b: {  	s6 =	sld [smem:$0x3FA8]  }
0x2c: {  	s7 =	sld [smem:$0x3FA9]  }
0x2d: {  	s3 =	simm.s32 $0x108;
	s8 =	sld [smem:$0x3FAA]  }
0x2e: {  	s3 =	simm.s32 @!p0 $0x1082;
	s9 =	sld [smem:$0x3FAB]  }
0x2f: {  	lr =	sadd.s32 s0, s3;
	s0 =	sld [smem:$0x3FA2]  }
0x30: {  	s3 =	sld [smem:$0x3FA5]  }
0x31: {  	[smem:$0x3FAE] =	sst s10  }
0x32: {  	s10 =	sld [smem:$0x3FAC];
	_ =	sdelay $0x3  }
0x33: {  	p0 =	seq.s32 s10, $0x1;
	s10 =	sld [smem:$0x3FAE];
	_ =	sdelay $0x3  }
0x34: {  	[smem:$0x3FAE] =	sst s10  }
0x35: {  	s10 =	sld [smem:$0x3FAD];
	_ =	sdelay $0x3  }
0x36: {  	p1 =	seq.s32 s10, $0x1;
	s10 =	sld [smem:$0x3FAE];
	_ =	sdelay $0x3  }
0x37: {  	[smem:$0x3FAE] =	sst s10  }
0x38: {  	s10 =	sld [smem:$0x3FAF]  }
0x39: {  	_ = 	snop;
	(pc) =	sbr.ind lr, $3  }
0x3a: {  	_ = 	snop  }
0x3b: {  	_ = 	snop  }
0x3c: {  	p2 =	seq.s32 s10, $0x1;
	s10 =	sld [smem:$0x3FAE]  }
0x3d: {  	_ =	shalt  }
0x3e: {  	_ =	shalt  }
0x3f: {  	_ =	shalt  }
0x40: {  	_ =	shalt  }
0x41: {  	_ =	shalt  }
0x42: {  	_ =	shalt  }
0x43: {  	_ =	shalt  }
0x44: {  	_ =	shalt  }
0x45: {  	_ =	shalt  }
0x46: {  	_ =	shalt  }
0x47: {  	_ =	shalt  }
0x48: {  	_ =	shalt  }
0x49: {  	_ =	shalt  }
0x4a: {  	_ =	shalt  }
0x4b: {  	_ =	shalt  }
0x4c: {  	_ =	shalt  }
0x4d: {  	_ =	shalt  }
0x4e: {  	_ =	shalt  }
0x4f: {  	_ =	shalt  }
0x50: {  	_ =	shalt  }
0x51: {  	_ =	shalt  }
0x52: {  	_ =	shalt  }
0x53: {  	_ =	shalt  }
0x54: {  	_ =	shalt  }
0x55: {  	_ =	shalt  }
0x56: {  	_ =	shalt  }
0x57: {  	_ =	shalt  }
0x58: {  	_ =	shalt  }
0x59: {  	_ =	shalt  }
0x5a: {  	_ =	shalt  }
0x5b: {  	_ =	shalt  }
0x5c: {  	_ =	shalt  }
0x5d: {  	_ =	shalt  }
0x5e: {  	_ =	shalt  }
0x5f: {  	_ =	shalt  }
0x60: {  	_ =	shalt  }
0x61: {  	_ =	shalt  }
0x62: {  	_ =	shalt  }
0x63: {  	_ =	shalt  }
0x64: {  	_ =	shalt  }
0x65: {  	_ =	shalt  }
0x66: {  	_ =	shalt  }
0x67: {  	_ =	shalt  }
0x68: {  	_ =	shalt  }
0x69: {  	_ =	shalt  }
0x6a: {  	_ =	shalt  }
0x6b: {  	_ =	shalt  }
0x6c: {  	_ =	shalt  }
0x6d: {  	_ =	shalt  }
0x6e: {  	_ =	shalt  }
0x6f: {  	_ =	shalt  }
0x70: {  	_ =	shalt  }
0x71: {  	_ =	shalt  }
0x72: {  	_ =	shalt  }
0x73: {  	_ =	shalt  }
0x74: {  	_ =	shalt  }
0x75: {  	_ =	shalt  }
0x76: {  	_ =	shalt  }
0x77: {  	_ =	shalt  }
0x78: {  	_ =	shalt  }
0x79: {  	_ =	shalt  }
0x7a: {  	_ =	shalt  }
0x7b: {  	_ =	shalt  }
0x7c: {  	_ =	shalt  }
0x7d: {  	_ =	shalt  }
0x7e: {  	_ =	shalt  }
0x7f: {  	_ =	shalt  }
0x80: {  	_ =	shalt  }
0x81: {  	_ =	shalt  }
0x82: {  	_ =	shalt  }
0x83: {  	_ =	shalt  }
0x84: {  	_ =	shalt  }
0x85: {  	_ =	shalt  }
0x86: {  	_ =	shalt  }
0x87: {  	_ =	shalt  }
.Lfunc_end0:
.L_simem_size_0:
called_computation.1_lowered:
.L_overlay_start_0:
0x88: {  	s2 =	sld [smem:$0x3FD9]  }
0x89: {  	s3 =	sld [smem:$0x3FFE];
	_ =	sdelay $0x1  }
0x8a: {  	s1 =	srdreg.scid  }
0x8b: {  	s0 =	sand.u32 $0x1, s1  }
0x8c: {  	s17 =	sshll.u32 s0, $0xA;
	s2 =	sadd.s32 s3, s2  }
0x8d: {  	s2 =	sadd.s32 s2, s17  }
0x8e: {  	[smem:$0x3FBA] =	sst s2  }
0x8f: {  	_ = 	snop  }
0x90: {  	s18 =	sld [smem:$0x3FC5]  }
0x91: {  	s4 =	sld [smem:$0x3FC3];
	(tm) =	ssettm $0x1  }
0x92: {  	s19 =	sld [smem:$0x3FFB];
	_ =	sdelay $0x3  }
0x93: {  	_ =	strace s19  }
0x94: {  	s2 =	sld [smem:$0x3FFC];
	_ =	sdelay $0x3  }
0x95: {  	_ =	strace s2  }
0x96: {  	s2 =	sld [smem:$0x3FFD];
	_ =	sdelay $0x3  }
0x97: {  	_ =	strace s2  }
0x98: {  	_ =	strace $0x8FFFFFFF  }
0x99: {  	s20 =	sld [smem:$0x3FDB];
	_ =	sdelay $0x1  }
0x9a: {  	s5 =	simm.s32 $_scs_section_size  }
0x9b: {  	s6 =	simm.s32 $_size__tile_overlayer_lowered;
	s7 =	simm.s32 $_tile_overlayer_lowered  }
0x9c: {  	s8 =	simm.s32 $0x1BFF;
	s21 =	sshll.u32 s7, $0x1;
	s5 =	sadd.s32 s5, s20  }
0x9d: {  	s22 =	simm.s32 $0x0;
	s6 =	sshll.u32 s6, $0x1;
	s7 =	sadd.s32 s21, s5  }
0x9e: {  	[timem:s22], [sflag:s8] =	dma.local [hbm:s7], s6  }
0x9f: {  	_ =	swait.ge [sflag:s8], s6  }
0xa0: {  	s6 =	ssub.s32 $0x0, s6;
	[sflag:s8] =	ssyncset.done $0x0  }
0xa1: {  	[sflag:s8] =	ssyncadd.s32 s6;
	_ =	sdelay $0x1  }
0xa2: {  	s23 =	simm.s32 $0x1B8B  }
0xa3: {  	_ =	swait.ge [sflag:s23], $0x1  }
0xa4: {  	[sflag:s23] =	ssyncset.done $0x0  }
0xa5: {  	[sflag:s23] =	ssyncadd.s32 $0xFFFFFFFF  }
0xa6: {  	s6 =	sld [smem:$0x0]  }
0xa7: {  	s7 =	sand.u32 $0xFFFFFFFE, s1  }
0xa8: {  	p0 =	sne.s32 s1, s7  }
0xa9: {  	s7 =	sshll.u32 @p0 s7, $0xE  }
0xaa: {  	s7 =	sadd.s32 @p0 $0x11B8D, s7;
	s8 =	sshll.u32 @p0 s6, $0x11  }
0xab: {  	s7 =	sor.u32 @p0 s8, s7  }
0xac: {  	[sflag:s7] =	ssyncadd.remote.s32 @p0 $0x1;
	_ =	sdelay $0x1  }
0xad: {  	s7 =	simm.s32 @p0 $0x1B8D  }
0xae: {  	_ =	swait.eq @p0 [sflag:s7], $0x1  }
0xaf: {  	[sflag:s7] =	ssyncadd.s32 @p0 $0xFFFFFFFF  }
0xb0: {  	s8 =	sshll.u32 @!p0 s1, $0xE  }
0xb1: {  	s8 =	sor.u32 @!p0 $0x4000, s8;
	s7 =	simm.s32 @!p0 $0x1B8D  }
0xb2: {  	s6 =	sshll.u32 @!p0 s6, $0x11;
	s8 =	sadd.s32 @!p0 $0x11B8D, s8;
	_ =	swait.eq @!p0 [sflag:s7], $0x1  }
0xb3: {  	s6 =	sor.u32 @!p0 s6, s8;
	[sflag:s7] =	ssyncadd.s32 @!p0 $0xFFFFFFFF  }
0xb4: {  	s25 =	simm.s32 $0x1B8E;
	s24 =	sld [smem:$0x3FFE];
	[sflag:s6] =	ssyncadd.remote.s32 @!p0 $0x1  }
0xb5: {  	s26 =	simm.s32 $execute0_lowered;
	[smem:$0x3FD2] =	sst s25  }
0xb6: {  	s7 =	sshll.u32 s26, $0x1;
	_ =	strace $0x80000049;
	[dreg:$0x1] =	wrdreg $0xFFFFFFFF  }
0xb7: {  	s28 =	simm.s32 $_size_execute0_lowered;
	s5 =	sadd.s32 s5, s7;
	[dreg:$0x0] =	wrdreg $0x0  }
0xb8: {  	s7 =	sshll.u32 s28, $0x1;
	[dreg:$0x2] =	wrdreg s5  }
0xb9: {  	[dreg:$0x3] =	wrdreg s7  }
0xba: {  	[dreg:$0x4] =	wrdreg $0xC0  }
0xbb: {  	_ =	task [dreg:s22], $0x5FFFF  }
0xbc: {  	[dreg:$0x1] =	wrdreg $0xFFFFFFFF  }
0xbd: {  	[dreg:$0x0] =	wrdreg $0x60  }
0xbe: {  	[dreg:$0x2] =	wrdreg s4  }
0xbf: {  	[dreg:$0x3] =	wrdreg s18  }
0xc0: {  	[dreg:$0x4] =	wrdreg s24  }
0xc1: {  	[dreg:$0x5] =	wrdreg $0xA  }
0xc2: {  	_ =	task.clear_ibuf [dreg:s22], $0x6FFFF;
	_ =	strace $0x90000049  }
0xc3: {  	s29 =	simm.s32 $0xA;
	_ =	strace $0x8000004B  }
0xc4: {  	_ =	swait.ge [sflag:s29], $0x1  }
0xc5: {  	[sflag:s29] =	ssyncadd.s32 $0xFFFFFFFF  }
0xc6: {  	_ =	strace $0x9000004B  }
0xc7: {  	_ =	sfence  }
0xc8: {  	s30 =	sld [smem:$0x0];
	_ =	sdelay $0x2  }
0xc9: {  	s31 =	sshll.u32 s1, $0xD;
	s1 =	sshrl.u32 s1, $0x2  }
0xca: {  	s4 =	sand.u32 $0x4000, s31;
	s1 =	sadd.s32 s1, s30  }
0xcb: {  	s0 =	sor.u32 s4, s0;
	s1 =	sshll.u32 s1, $0x11  }
0xcc: {  	s0 =	sor.u32 s1, s0  }
0xcd: {  	s0 =	sadd.s32 $0x8F2B, s0  }
0xce: {  	[sflag:s0] =	ssyncadd.remote.s32 $0x1  }
0xcf: {  	_ =	sfence.sel $0xFFFF  }
0xd0: {  	[dreg:$0x0] =	wrdreg $0xFFFFFFFF;
	(pc) =	sbr.abs _section_cstart, $3  }
0xd1: {  	[dreg:$0x1] =	wrdreg $0xFFFFFFFF  }
0xd2: {  	_ =	task.clear_ibuf [dreg:s22], $0x2FFFF;
	_ =	strace $0x9FFFFFFF  }
0xd3: {  	(tm) =	ssettm $0x7FFFFFFF  }
tec
execute0_lowered:
.L_overlay_start_1:
0x0: {  	(tag) =	ssettag $0x1  }
0x1: {  	s1 =	srdreg.scid;
	s0 =	stileid.u32  }
0x2: {  	s6 =	sand.u32 $0x1, s1;
	s30 =	sshll.u32 s0, $0x1  }
0x3: {  	s4 =	rddreg [dreg:$0x0];
	s1 =	sor.u32 s6, s30  }
0x4: {  	s2 =	rddreg [dreg:$0x1];
	s5 =	smul.u32 $0xC00, s1  }
0x5: {  	s8 =	rddreg [dreg:$0x2];
	s3 =	simm.s32 $0x0  }
0x6: {  	[smem:$0x7FF] =	sst s3;
	s9 =	sshrl.u32 s5, $0x3  }
0x7: {  	s10 =	ssub.s32 $0x2, s6;
	s1 =	rddreg [dreg:$0x3];
	s4 =	sadd.s32 s4, s9  }
0x8: {  	_ =	strace $0x8000004A;
	s5 =	sadd.s32 $0x1000, s4;
	s4 =	simm.s32 $0x2  }
0x9: {  	[tilespmem:s3], [sflag:$0x2] =	stream.linear.gather [hbm4b:s5+s3], $0xC00, $0x38;
	[tilespmem:$0x1800] =	vst v63  }
0xa: {  	s7 =	simm.s32 $0x1;
	s11 =	sshrl.u32 s10, $0x1;
	_ =	swait.ge [sflag:s4], $0xC00  }
0xb: {  	s6 =	simm.s32 $0xC00;
	s31 =	ssub.s32 s10, s11;
	[sflag:s4] =	ssyncset.done $0x0  }
0xc: {  	s8 =	sadd.s32 s9, s8;
	s9 =	smax.u32 s31, $0x1;
	[sflag:s4] =	ssyncadd.s32 $0xFFFFF400  }
0xd: {  	[tilespmem:s6], [sflag:$0x1] =	stream.indirect.gather [hbm4b:s2+s6], $0x1, s3, s6, $0xb8;
	[tilespmem:$0x1800] =	vst v63  }
0xe: {  	p0 =	sne.s32 s9, $0x1;
	_ =	swait.ge [sflag:s7], $0xC00  }
.Ltmp0:
0xf: {  	[sflag:s7] =	ssyncset.done $0x0;
	(pc) =	sbr.rel @!p0 .LBB2_2-.Ltmp0, $4  }
0x10: {  	s8 =	sadd.s32 $0x3000, s8;
	[sflag:s7] =	ssyncadd.s32 $0xFFFFF400  }
0x11: {  	[hbm4b:s8+s3] =	stream.linear.scatter [tilespmem:s6], [sflag:$0x2], $0xC00, $0x38;
	[tilespmem:$0x1800] =	vst v63  }
0x12: {  	_ =	swait.ge [sflag:s4], $0xC00  }
0x13: {  	s9 =	sadd.s32 $0xFFFFFFFF, s9;
	[sflag:s4] =	ssyncset.done $0x0  }
.LBB2_1:
0x14: {  	p0 =	sne.s32 s9, $0x1;
	s9 =	sadd.s32 $0xFFFFFFFF, s9;
	[sflag:s4] =	ssyncadd.s32 $0xFFFFF400  }
0x15: {  	[tilespmem:s3], [sflag:$0x2] =	stream.linear.gather [hbm4b:s5+s3], $0xC00, $0x38;
	[tilespmem:$0x1800] =	vst v63  }
0x16: {  	_ =	swait.ge [sflag:s4], $0xC00  }
0x17: {  	[sflag:s4] =	ssyncset.done $0x0  }
0x18: {  	[sflag:s4] =	ssyncadd.s32 $0xFFFFF400  }
0x19: {  	[tilespmem:s6], [sflag:$0x1] =	stream.indirect.gather [hbm4b:s2+s6], $0x1, s3, s6, $0xb8;
	[tilespmem:$0x1800] =	vst v63  }
0x1a: {  	_ =	swait.ge [sflag:s7], $0xC00  }
.Ltmp1:
0x1b: {  	[sflag:s7] =	ssyncset.done $0x0;
	(pc) =	sbr.rel @p0 .LBB2_1-.Ltmp1, $4  }
0x1c: {  	[sflag:s7] =	ssyncadd.s32 $0xFFFFF400  }
0x1d: {  	[hbm4b:s8+s3] =	stream.linear.scatter [tilespmem:s6], [sflag:$0x2], $0xC00, $0x38;
	[tilespmem:$0x1800] =	vst v63  }
0x1e: {  	_ =	swait.ge [sflag:s4], $0xC00  }
0x1f: {  	[sflag:s4] =	ssyncset.done $0x0  }
.LBB2_2:
0x20: {  	[sflag:s4] =	ssyncadd.s32 $0xFFFFF400  }
0x21: {  	_ =	sfence.sel $0x180000  }
0x22: {  	[bflag:$0x0] =	sbarrier.arrive $0xFFFF  }
0x23: {  	p0 =	sne.s32 s0, $0x0;
	_ =	strace $0x9000004A  }
0x24: {  	s0 =	sadd.s32 @!p0 $0x100000, s1;
	[bflag:$0x2] =	sbarrier.arrive $0xFFFF  }
0x25: {  	[sflag:s0] =	ssyncadd.tile.s32 @!p0 $0x1;
	_ =	shalt  }
.Lfunc_end2:
_tile_overlayer_lowered:
.L_overlay_start_2:
0x26: {  	(tag) =	ssettag $0x2  }
0x27: {  	s0 =	rddreg [dreg:$0x0];
	s2 =	stileid.u32  }
0x28: {  	s1 =	rddreg [dreg:$0x1];
	p0 =	sne.s32 s2, $0x0  }
0x29: {  	s3 =	rddreg [dreg:$0x2];
	[bflag:$0x3] =	sbarrier.arrive $0xFFFF;
	s2 =	simm.s32 @!p0 $0x1C02  }
0x2a: {  	[timem:s3], [sflag:s2] =	dma.local @!p0 [hbm:s0], s1  }
0x2b: {  	s0 =	simm.s32 @!p0 $0x2  }
0x2c: {  	_ =	swait.ge @!p0 [sflag:s0], s1  }
0x2d: {  	s1 =	ssub.s32 @!p0 $0x0, s1;
	[sflag:s0] =	ssyncset.done @!p0 $0x0  }
0x2e: {  	[sflag:s0] =	ssyncadd.s32 @!p0 s1  }
0x2f: {  	[bflag:$0x3] =	sbarrier.arrive $0xFFFF  }
0x30: {  	_ =	shalt  }

// kernel: kernel.14.cloned.1.call-start
scs
__scs_entry_jumppad:
0x0: {  	(pc) =	sbr.rel $0x88, $3  }
0x1: {  	(tag) =	ssettag $0x0;
	lr =	simm.s32 $0x1  }
0x2: {  	[smem:$0x3F93] =	sst lr;
	_ =	strace $0xD0000000  }
0x3: {  	_ = 	snop  }
0x4: {  	_ = 	snop  }
0x5: {  	_ = 	snop  }
0x6: {  	_ = 	snop  }
0x7: {  	_ = 	snop  }
__scs_overlays_trampoline_lowered:
0x8: {  	[smem:$0x3FA2] =	sst s0  }
0x9: {  	[smem:$0x3FA3] =	sst s1  }
0xa: {  	[smem:$0x3FA4] =	sst s2  }
0xb: {  	[smem:$0x3FA5] =	sst s3  }
0xc: {  	[smem:$0x3FA6] =	sst s4  }
0xd: {  	[smem:$0x3FA7] =	sst s5  }
0xe: {  	[smem:$0x3FA8] =	sst s6  }
0xf: {  	[smem:$0x3FA9] =	sst s7  }
0x10: {  	[smem:$0x3FAA] =	sst s8  }
0x11: {  	[smem:$0x3FAB] =	sst s9;
	s0 =	simm.s32 @!p0 $0x0  }
0x12: {  	s1 =	sld [smem:$0x3F91];
	s0 =	simm.s32 @p0 $0x1  }
0x13: {  	[smem:$0x3FAC] =	sst s0;
	s0 =	simm.s32 @!p1 $0x0  }
0x14: {  	s2 =	sld [smem:$0x3F90];
	s0 =	simm.s32 @p1 $0x1  }
0x15: {  	[smem:$0x3FAD] =	sst s0;
	s0 =	simm.s32 @!p2 $0x0  }
0x16: {  	s3 =	sld [smem:$0x3FDB];
	s0 =	simm.s32 @p2 $0x1  }
0x17: {  	s4 =	simm.s32 $0x1BF5;
	[smem:$0x3FAF] =	sst s0  }
0x18: {  	s0 =	sld [smem:$0x3F92];
	_ =	swait.ge [sflag:s4], $0x0  }
0x19: {  	s7 =	sld [smem:$0x3F93]  }
0x1a: {  	s8 =	sadd.s32 $0xFFFFE003, lr  }
0x1b: {  	s9 =	sadd.s32 $0xFFFFFEF7, lr;
	s5 =	simm.s32 $0xFFFFFFFF;
	p2 =	slt.u32 s8, $0xFFFFF086  }
0x1c: {  	p1 =	slt.u32 s9, $0xF7A;
	s5 =	simm.s32 @!p2 $0x0  }
0x1d: {  	s5 =	simm.s32 @p1 $0x1;
	p0 =	seq.s32 s7, s2  }
0x1e: {  	s7 =	smul.u32 @!p0 $0xF7A, s2;
	p2 =	seq.s32 @!p0 s5, $0x0  }
0x1f: {  	s9 =	smul.u32 $0xF7A, s1;
	s8 =	simm.s32 @!p0 $0x1BF5;
	p2 =	por !p2, p0  }
0x20: {  	[sflag:s8] =	ssyncset.s32 @!p0 $0xFFFFF086;
	s6 =	sadd.s32 @!p0 s3, s7;
	s7 =	simm.s32 @!p0 $0x108  }
0x21: {  	s3 =	sadd.s32 s3, s9;
	s6 =	sadd.s32 @!p0 $0x88, s6;
	s7 =	simm.s32 @p2 $0x1082  }
0x22: {  	[simem:s7], [sflag:s8] =	dma.local @!p0 [hbm:s6], $0xF7A  }
0x23: {  	s9 =	sor.u32 $0xD0000000, s2;
	s6 =	simm.s32 $0x108;
	_ =	swait.ge @!p0 [sflag:s8], $0x0  }
0x24: {  	s3 =	sadd.s32 $0x88, s3;
	s6 =	simm.s32 @!p1 $0x1082;
	[sflag:s4] =	ssyncset.s32 $0xFFFFF086  }
0x25: {  	[simem:s6], [sflag:s4] =	dma.local [hbm:s3], $0xF7A  }
0x26: {  	[smem:$0x3F93] =	sst s1;
	(tag) =	ssettag s2;
	_ =	strace s9  }
0x27: {  	s1 =	sld [smem:$0x3FA3]  }
0x28: {  	s2 =	sld [smem:$0x3FA4]  }
0x29: {  	s4 =	sld [smem:$0x3FA6]  }
0x2a: {  	p0 =	seq.s32 s5, $0x0;
	s5 =	sld [smem:$0x3FA7]  }
0x2b: {  	s6 =	sld [smem:$0x3FA8]  }
0x2c: {  	s7 =	sld [smem:$0x3FA9]  }
0x2d: {  	s3 =	simm.s32 $0x108;
	s8 =	sld [smem:$0x3FAA]  }
0x2e: {  	s3 =	simm.s32 @!p0 $0x1082;
	s9 =	sld [smem:$0x3FAB]  }
0x2f: {  	lr =	sadd.s32 s0, s3;
	s0 =	sld [smem:$0x3FA2]  }
0x30: {  	s3 =	sld [smem:$0x3FA5]  }
0x31: {  	[smem:$0x3FAE] =	sst s10  }
0x32: {  	s10 =	sld [smem:$0x3FAC];
	_ =	sdelay $0x3  }
0x33: {  	p0 =	seq.s32 s10, $0x1;
	s10 =	sld [smem:$0x3FAE];
	_ =	sdelay $0x3  }
0x34: {  	[smem:$0x3FAE] =	sst s10  }
0x35: {  	s10 =	sld [smem:$0x3FAD];
	_ =	sdelay $0x3  }
0x36: {  	p1 =	seq.s32 s10, $0x1;
	s10 =	sld [smem:$0x3FAE];
	_ =	sdelay $0x3  }
0x37: {  	[smem:$0x3FAE] =	sst s10  }
0x38: {  	s10 =	sld [smem:$0x3FAF]  }
0x39: {  	_ = 	snop;
	(pc) =	sbr.ind lr, $3  }
0x3a: {  	_ = 	snop  }
0x3b: {  	_ = 	snop  }
0x3c: {  	p2 =	seq.s32 s10, $0x1;
	s10 =	sld [smem:$0x3FAE]  }
0x3d: {  	_ =	shalt  }
0x3e: {  	_ =	shalt  }
0x3f: {  	_ =	shalt  }
0x40: {  	_ =	shalt  }
0x41: {  	_ =	shalt  }
0x42: {  	_ =	shalt  }
0x43: {  	_ =	shalt  }
0x44: {  	_ =	shalt  }
0x45: {  	_ =	shalt  }
0x46: {  	_ =	shalt  }
0x47: {  	_ =	shalt  }
0x48: {  	_ =	shalt  }
0x49: {  	_ =	shalt  }
0x4a: {  	_ =	shalt  }
0x4b: {  	_ =	shalt  }
0x4c: {  	_ =	shalt  }
0x4d: {  	_ =	shalt  }
0x4e: {  	_ =	shalt  }
0x4f: {  	_ =	shalt  }
0x50: {  	_ =	shalt  }
0x51: {  	_ =	shalt  }
0x52: {  	_ =	shalt  }
0x53: {  	_ =	shalt  }
0x54: {  	_ =	shalt  }
0x55: {  	_ =	shalt  }
0x56: {  	_ =	shalt  }
0x57: {  	_ =	shalt  }
0x58: {  	_ =	shalt  }
0x59: {  	_ =	shalt  }
0x5a: {  	_ =	shalt  }
0x5b: {  	_ =	shalt  }
0x5c: {  	_ =	shalt  }
0x5d: {  	_ =	shalt  }
0x5e: {  	_ =	shalt  }
0x5f: {  	_ =	shalt  }
0x60: {  	_ =	shalt  }
0x61: {  	_ =	shalt  }
0x62: {  	_ =	shalt  }
0x63: {  	_ =	shalt  }
0x64: {  	_ =	shalt  }
0x65: {  	_ =	shalt  }
0x66: {  	_ =	shalt  }
0x67: {  	_ =	shalt  }
0x68: {  	_ =	shalt  }
0x69: {  	_ =	shalt  }
0x6a: {  	_ =	shalt  }
0x6b: {  	_ =	shalt  }
0x6c: {  	_ =	shalt  }
0x6d: {  	_ =	shalt  }
0x6e: {  	_ =	shalt  }
0x6f: {  	_ =	shalt  }
0x70: {  	_ =	shalt  }
0x71: {  	_ =	shalt  }
0x72: {  	_ =	shalt  }
0x73: {  	_ =	shalt  }
0x74: {  	_ =	shalt  }
0x75: {  	_ =	shalt  }
0x76: {  	_ =	shalt  }
0x77: {  	_ =	shalt  }
0x78: {  	_ =	shalt  }
0x79: {  	_ =	shalt  }
0x7a: {  	_ =	shalt  }
0x7b: {  	_ =	shalt  }
0x7c: {  	_ =	shalt  }
0x7d: {  	_ =	shalt  }
0x7e: {  	_ =	shalt  }
0x7f: {  	_ =	shalt  }
0x80: {  	_ =	shalt  }
0x81: {  	_ =	shalt  }
0x82: {  	_ =	shalt  }
0x83: {  	_ =	shalt  }
0x84: {  	_ =	shalt  }
0x85: {  	_ =	shalt  }
0x86: {  	_ =	shalt  }
0x87: {  	_ =	shalt  }
.Lfunc_end0:
.L_simem_size_0:
called_computation.2_lowered:
.L_overlay_start_0:
0x88: {  	s2 =	sld [smem:$0x3FD9]  }
0x89: {  	s3 =	sld [smem:$0x3FFE];
	_ =	sdelay $0x1  }
0x8a: {  	s1 =	srdreg.scid  }
0x8b: {  	s0 =	sand.u32 $0x1, s1  }
0x8c: {  	s16 =	sshll.u32 s0, $0xA;
	s2 =	sadd.s32 s3, s2  }
0x8d: {  	s2 =	sadd.s32 s2, s16  }
0x8e: {  	[smem:$0x3FBA] =	sst s2  }
0x8f: {  	_ = 	snop  }
0x90: {  	s4 =	sld [smem:$0x3FD0];
	_ =	sdelay $0x1  }
0x91: {  	s2 =	sld [smem:$0x3FC5]  }
0x92: {  	s5 =	simm.s32 $0xC;
	s6 =	simm.s32 $0x10;
	s17 =	sld [smem:$0x3FC3]  }
0x93: {  	[smem:s6], [sflag:s5] =	dma.local [hbm:s4], $0x1  }
0x94: {  	_ =	swait.eq [sflag:s5], $0x1  }
0x95: {  	[sflag:s5] =	ssyncset.done $0x0  }
0x96: {  	[sflag:s5] =	ssyncadd.s32 $0xFFFFFFFF  }
0x97: {  	s18 =	sld [smem:$0x12];
	(tm) =	ssettm $0x1  }
0x98: {  	s19 =	sld [smem:$0x3FFB];
	_ =	sdelay $0x3  }
0x99: {  	_ =	strace s19  }
0x9a: {  	s4 =	sld [smem:$0x3FFC];
	_ =	sdelay $0x3  }
0x9b: {  	_ =	strace s4  }
0x9c: {  	s4 =	sld [smem:$0x3FFD];
	_ =	sdelay $0x3  }
0x9d: {  	_ =	strace s4  }
0x9e: {  	_ =	strace $0x8FFFFFFF  }
0x9f: {  	s20 =	sld [smem:$0x3FDB];
	_ =	sdelay $0x1  }
0xa0: {  	s21 =	simm.s32 $_scs_section_size  }
0xa1: {  	s7 =	simm.s32 $_size__tile_overlayer_lowered;
	s8 =	simm.s32 $_tile_overlayer_lowered  }
0xa2: {  	s9 =	simm.s32 $0x1BFF;
	s22 =	sshll.u32 s8, $0x1;
	s6 =	sadd.s32 s21, s20  }
0xa3: {  	s23 =	simm.s32 $0x0;
	s7 =	sshll.u32 s7, $0x1;
	s8 =	sadd.s32 s22, s6  }
0xa4: {  	[timem:s23], [sflag:s9] =	dma.local [hbm:s8], s7  }
0xa5: {  	_ =	swait.ge [sflag:s9], s7  }
0xa6: {  	s7 =	ssub.s32 $0x0, s7;
	[sflag:s9] =	ssyncset.done $0x0  }
0xa7: {  	[sflag:s9] =	ssyncadd.s32 s7;
	_ =	sdelay $0x1  }
0xa8: {  	s24 =	simm.s32 $0x1B8B  }
0xa9: {  	_ =	swait.ge [sflag:s24], $0x1  }
0xaa: {  	[sflag:s24] =	ssyncset.done $0x0  }
0xab: {  	[sflag:s24] =	ssyncadd.s32 $0xFFFFFFFF  }
0xac: {  	s7 =	sld [smem:$0x0]  }
0xad: {  	s8 =	sand.u32 $0xFFFFFFFE, s1  }
0xae: {  	p0 =	sne.s32 s1, s8  }
0xaf: {  	s8 =	sshll.u32 @p0 s8, $0xE  }
0xb0: {  	s8 =	sadd.s32 @p0 $0x11B8D, s8;
	s9 =	sshll.u32 @p0 s7, $0x11  }
0xb1: {  	s8 =	sor.u32 @p0 s9, s8  }
0xb2: {  	[sflag:s8] =	ssyncadd.remote.s32 @p0 $0x1;
	_ =	sdelay $0x1  }
0xb3: {  	s8 =	simm.s32 @p0 $0x1B8D  }
0xb4: {  	_ =	swait.eq @p0 [sflag:s8], $0x1  }
0xb5: {  	[sflag:s8] =	ssyncadd.s32 @p0 $0xFFFFFFFF  }
0xb6: {  	s9 =	sshll.u32 @!p0 s1, $0xE  }
0xb7: {  	s9 =	sor.u32 @!p0 $0x4000, s9;
	s8 =	simm.s32 @!p0 $0x1B8D  }
0xb8: {  	s7 =	sshll.u32 @!p0 s7, $0x11;
	s9 =	sadd.s32 @!p0 $0x11B8D, s9;
	_ =	swait.eq @!p0 [sflag:s8], $0x1  }
0xb9: {  	s7 =	sor.u32 @!p0 s7, s9;
	[sflag:s8] =	ssyncadd.s32 @!p0 $0xFFFFFFFF  }
0xba: {  	s25 =	simm.s32 $0x1B8E;
	[sflag:s7] =	ssyncadd.remote.s32 @!p0 $0x1  }
0xbb: {  	s26 =	simm.s32 $execute0_lowered;
	[smem:$0x3FD2] =	sst s25  }
0xbc: {  	s7 =	sshll.u32 s26, $0x1;
	_ =	strace $0x8000004C;
	[dreg:$0x1] =	wrdreg $0xFFFFFFFF  }
0xbd: {  	s28 =	simm.s32 $_size_execute0_lowered;
	s6 =	sadd.s32 s6, s7;
	[dreg:$0x0] =	wrdreg $0x0  }
0xbe: {  	s7 =	sshll.u32 s28, $0x1;
	[dreg:$0x2] =	wrdreg s6  }
0xbf: {  	[dreg:$0x3] =	wrdreg s7  }
0xc0: {  	[dreg:$0x4] =	wrdreg $0xC0  }
0xc1: {  	_ =	task [dreg:s23], $0x5FFFF  }
0xc2: {  	[dreg:$0x1] =	wrdreg $0xFFFFFFFF  }
0xc3: {  	[dreg:$0x0] =	wrdreg $0x60  }
0xc4: {  	[dreg:$0x2] =	wrdreg s17  }
0xc5: {  	[dreg:$0x3] =	wrdreg s2  }
0xc6: {  	[dreg:$0x4] =	wrdreg s18  }
0xc7: {  	[dreg:$0x5] =	wrdreg $0xB  }
0xc8: {  	_ =	task.clear_ibuf [dreg:s23], $0x6FFFF;
	_ =	strace $0x9000004C  }
0xc9: {  	s29 =	simm.s32 $0xB;
	_ =	strace $0x8000004E  }
0xca: {  	_ =	swait.ge [sflag:s29], $0x1  }
0xcb: {  	[sflag:s29] =	ssyncadd.s32 $0xFFFFFFFF  }
0xcc: {  	_ =	strace $0x9000004E  }
0xcd: {  	_ =	sfence  }
0xce: {  	s30 =	sld [smem:$0x0];
	_ =	sdelay $0x2  }
0xcf: {  	s31 =	sshll.u32 s1, $0xD;
	s1 =	sshrl.u32 s1, $0x2  }
0xd0: {  	s3 =	sand.u32 $0x4000, s31;
	s1 =	sadd.s32 s1, s30  }
0xd1: {  	s0 =	sor.u32 s3, s0;
	s1 =	sshll.u32 s1, $0x11  }
0xd2: {  	s0 =	sor.u32 s1, s0  }
0xd3: {  	s0 =	sadd.s32 $0x8F2B, s0  }
0xd4: {  	[sflag:s0] =	ssyncadd.remote.s32 $0x1  }
0xd5: {  	_ =	sfence.sel $0xFFFF  }
0xd6: {  	[dreg:$0x0] =	wrdreg $0xFFFFFFFF;
	(pc) =	sbr.abs _section_cstart, $3  }
0xd7: {  	[dreg:$0x1] =	wrdreg $0xFFFFFFFF  }
0xd8: {  	_ =	task.clear_ibuf [dreg:s23], $0x2FFFF;
	_ =	strace $0x9FFFFFFF  }
0xd9: {  	(tm) =	ssettm $0x7FFFFFFF  }
tec
execute0_lowered:
.L_overlay_start_1:
0x0: {  	(tag) =	ssettag $0x1  }
0x1: {  	s1 =	srdreg.scid;
	s0 =	stileid.u32  }
0x2: {  	s6 =	sand.u32 $0x1, s1;
	s30 =	sshll.u32 s0, $0x1  }
0x3: {  	s4 =	rddreg [dreg:$0x0];
	s1 =	sor.u32 s6, s30  }
0x4: {  	s2 =	rddreg [dreg:$0x1];
	s5 =	smul.u32 $0x1710, s1  }
0x5: {  	s9 =	rddreg [dreg:$0x2];
	s3 =	simm.s32 $0x0  }
0x6: {  	[smem:$0x7FF] =	sst s3;
	s10 =	sshrl.u32 s5, $0x3  }
0x7: {  	s11 =	ssub.s32 $0x2, s6;
	s1 =	rddreg [dreg:$0x3];
	s4 =	sadd.s32 s4, s10  }
0x8: {  	_ =	strace $0x8000004D;
	s5 =	sadd.s32 $0x4000, s4;
	s4 =	simm.s32 $0x2  }
0x9: {  	[tilespmem:s3], [sflag:$0x2] =	stream.linear.gather [hbm4b:s5+s3], $0x1710, $0x38;
	[tilespmem:$0x2F00] =	vst v63  }
0xa: {  	s7 =	simm.s32 $0x1780;
	s12 =	sshrl.u32 s11, $0x1;
	_ =	swait.ge [sflag:s4], $0x1710  }
0xb: {  	s8 =	simm.s32 $0x1;
	s11 =	ssub.s32 s11, s12;
	[sflag:s4] =	ssyncset.done $0x0  }
0xc: {  	s6 =	simm.s32 $0x1710;
	s31 =	smax.u32 s11, $0x1;
	[sflag:s4] =	ssyncadd.s32 $0xFFFFE8F0  }
0xd: {  	[tilespmem:s7], [sflag:$0x1] =	stream.indirect.gather [hbm4b:s2+s6], $0x1, s3, s6, $0xb8;
	[tilespmem:$0x2F00] =	vst v63  }
0xe: {  	p0 =	sne.s32 s31, $0x1;
	_ =	swait.ge [sflag:s8], $0x1710  }
.Ltmp0:
0xf: {  	[sflag:s8] =	ssyncset.done $0x0;
	(pc) =	sbr.rel @!p0 .LBB2_2-.Ltmp0, $4  }
0x10: {  	s9 =	sadd.s32 s9, s10;
	[sflag:s8] =	ssyncadd.s32 $0xFFFFE8F0  }
0x11: {  	[hbm4b:s9+s3] =	stream.linear.scatter [tilespmem:s7], [sflag:$0x2], $0x1710, $0x38;
	[tilespmem:$0x2F00] =	vst v63  }
0x12: {  	_ =	swait.ge [sflag:s4], $0x1710  }
0x13: {  	s10 =	sadd.s32 $0xFFFFFFFF, s31;
	[sflag:s4] =	ssyncset.done $0x0  }
.LBB2_1:
0x14: {  	p0 =	sne.s32 s10, $0x1;
	s10 =	sadd.s32 $0xFFFFFFFF, s10;
	[sflag:s4] =	ssyncadd.s32 $0xFFFFE8F0  }
0x15: {  	[tilespmem:s3], [sflag:$0x2] =	stream.linear.gather [hbm4b:s5+s3], $0x1710, $0x38;
	[tilespmem:$0x2F00] =	vst v63  }
0x16: {  	_ =	swait.ge [sflag:s4], $0x1710  }
0x17: {  	[sflag:s4] =	ssyncset.done $0x0  }
0x18: {  	[sflag:s4] =	ssyncadd.s32 $0xFFFFE8F0  }
0x19: {  	[tilespmem:s7], [sflag:$0x1] =	stream.indirect.gather [hbm4b:s2+s6], $0x1, s3, s6, $0xb8;
	[tilespmem:$0x2F00] =	vst v63  }
0x1a: {  	_ =	swait.ge [sflag:s8], $0x1710  }
.Ltmp1:
0x1b: {  	[sflag:s8] =	ssyncset.done $0x0;
	(pc) =	sbr.rel @p0 .LBB2_1-.Ltmp1, $4  }
0x1c: {  	[sflag:s8] =	ssyncadd.s32 $0xFFFFE8F0  }
0x1d: {  	[hbm4b:s9+s3] =	stream.linear.scatter [tilespmem:s7], [sflag:$0x2], $0x1710, $0x38;
	[tilespmem:$0x2F00] =	vst v63  }
0x1e: {  	_ =	swait.ge [sflag:s4], $0x1710  }
0x1f: {  	[sflag:s4] =	ssyncset.done $0x0  }
.LBB2_2:
0x20: {  	[sflag:s4] =	ssyncadd.s32 $0xFFFFE8F0  }
0x21: {  	_ =	sfence.sel $0x180000  }
0x22: {  	[bflag:$0x0] =	sbarrier.arrive $0xFFFF  }
0x23: {  	p0 =	sne.s32 s0, $0x0;
	_ =	strace $0x9000004D  }
0x24: {  	s0 =	sadd.s32 @!p0 $0x100000, s1;
	[bflag:$0x2] =	sbarrier.arrive $0xFFFF  }
0x25: {  	[sflag:s0] =	ssyncadd.tile.s32 @!p0 $0x1;
	_ =	shalt  }
.Lfunc_end2:
_tile_overlayer_lowered:
.L_overlay_start_2:
0x26: {  	(tag) =	ssettag $0x2  }
0x27: {  	s0 =	rddreg [dreg:$0x0];
	s2 =	stileid.u32  }
0x28: {  	s1 =	rddreg [dreg:$0x1];
	p0 =	sne.s32 s2, $0x0  }
0x29: {  	s3 =	rddreg [dreg:$0x2];
	[bflag:$0x3] =	sbarrier.arrive $0xFFFF;
	s2 =	simm.s32 @!p0 $0x1C02  }
0x2a: {  	[timem:s3], [sflag:s2] =	dma.local @!p0 [hbm:s0], s1  }
0x2b: {  	s0 =	simm.s32 @!p0 $0x2  }
0x2c: {  	_ =	swait.ge @!p0 [sflag:s0], s1  }
0x2d: {  	s1 =	ssub.s32 @!p0 $0x0, s1;
	[sflag:s0] =	ssyncset.done @!p0 $0x0  }
0x2e: {  	[sflag:s0] =	ssyncadd.s32 @!p0 s1  }
0x2f: {  	[bflag:$0x3] =	sbarrier.arrive $0xFFFF  }
0x30: {  	_ =	shalt  }

// kernel: kernel.8.cloned.1.call-start
scs
__scs_entry_jumppad:
0x0: {  	(pc) =	sbr.rel $0x88, $3  }
0x1: {  	(tag) =	ssettag $0x0;
	lr =	simm.s32 $0x1  }
0x2: {  	[smem:$0x3F93] =	sst lr;
	_ =	strace $0xD0000000  }
0x3: {  	_ = 	snop  }
0x4: {  	_ = 	snop  }
0x5: {  	_ = 	snop  }
0x6: {  	_ = 	snop  }
0x7: {  	_ = 	snop  }
__scs_overlays_trampoline_lowered:
0x8: {  	[smem:$0x3FA2] =	sst s0  }
0x9: {  	[smem:$0x3FA3] =	sst s1  }
0xa: {  	[smem:$0x3FA4] =	sst s2  }
0xb: {  	[smem:$0x3FA5] =	sst s3  }
0xc: {  	[smem:$0x3FA6] =	sst s4  }
0xd: {  	[smem:$0x3FA7] =	sst s5  }
0xe: {  	[smem:$0x3FA8] =	sst s6  }
0xf: {  	[smem:$0x3FA9] =	sst s7  }
0x10: {  	[smem:$0x3FAA] =	sst s8  }
0x11: {  	[smem:$0x3FAB] =	sst s9;
	s0 =	simm.s32 @!p0 $0x0  }
0x12: {  	s1 =	sld [smem:$0x3F91];
	s0 =	simm.s32 @p0 $0x1  }
0x13: {  	[smem:$0x3FAC] =	sst s0;
	s0 =	simm.s32 @!p1 $0x0  }
0x14: {  	s2 =	sld [smem:$0x3F90];
	s0 =	simm.s32 @p1 $0x1  }
0x15: {  	[smem:$0x3FAD] =	sst s0;
	s0 =	simm.s32 @!p2 $0x0  }
0x16: {  	s3 =	sld [smem:$0x3FDB];
	s0 =	simm.s32 @p2 $0x1  }
0x17: {  	s4 =	simm.s32 $0x1BF5;
	[smem:$0x3FAF] =	sst s0  }
0x18: {  	s0 =	sld [smem:$0x3F92];
	_ =	swait.ge [sflag:s4], $0x0  }
0x19: {  	s7 =	sld [smem:$0x3F93]  }
0x1a: {  	s8 =	sadd.s32 $0xFFFFE003, lr  }
0x1b: {  	s9 =	sadd.s32 $0xFFFFFEF7, lr;
	s5 =	simm.s32 $0xFFFFFFFF;
	p2 =	slt.u32 s8, $0xFFFFF086  }
0x1c: {  	p1 =	slt.u32 s9, $0xF7A;
	s5 =	simm.s32 @!p2 $0x0  }
0x1d: {  	s5 =	simm.s32 @p1 $0x1;
	p0 =	seq.s32 s7, s2  }
0x1e: {  	s7 =	smul.u32 @!p0 $0xF7A, s2;
	p2 =	seq.s32 @!p0 s5, $0x0  }
0x1f: {  	s9 =	smul.u32 $0xF7A, s1;
	s8 =	simm.s32 @!p0 $0x1BF5;
	p2 =	por !p2, p0  }
0x20: {  	[sflag:s8] =	ssyncset.s32 @!p0 $0xFFFFF086;
	s6 =	sadd.s32 @!p0 s3, s7;
	s7 =	simm.s32 @!p0 $0x108  }
0x21: {  	s3 =	sadd.s32 s3, s9;
	s6 =	sadd.s32 @!p0 $0x88, s6;
	s7 =	simm.s32 @p2 $0x1082  }
0x22: {  	[simem:s7], [sflag:s8] =	dma.local @!p0 [hbm:s6], $0xF7A  }
0x23: {  	s9 =	sor.u32 $0xD0000000, s2;
	s6 =	simm.s32 $0x108;
	_ =	swait.ge @!p0 [sflag:s8], $0x0  }
0x24: {  	s3 =	sadd.s32 $0x88, s3;
	s6 =	simm.s32 @!p1 $0x1082;
	[sflag:s4] =	ssyncset.s32 $0xFFFFF086  }
0x25: {  	[simem:s6], [sflag:s4] =	dma.local [hbm:s3], $0xF7A  }
0x26: {  	[smem:$0x3F93] =	sst s1;
	(tag) =	ssettag s2;
	_ =	strace s9  }
0x27: {  	s1 =	sld [smem:$0x3FA3]  }
0x28: {  	s2 =	sld [smem:$0x3FA4]  }
0x29: {  	s4 =	sld [smem:$0x3FA6]  }
0x2a: {  	p0 =	seq.s32 s5, $0x0;
	s5 =	sld [smem:$0x3FA7]  }
0x2b: {  	s6 =	sld [smem:$0x3FA8]  }
0x2c: {  	s7 =	sld [smem:$0x3FA9]  }
0x2d: {  	s3 =	simm.s32 $0x108;
	s8 =	sld [smem:$0x3FAA]  }
0x2e: {  	s3 =	simm.s32 @!p0 $0x1082;
	s9 =	sld [smem:$0x3FAB]  }
0x2f: {  	lr =	sadd.s32 s0, s3;
	s0 =	sld [smem:$0x3FA2]  }
0x30: {  	s3 =	sld [smem:$0x3FA5]  }
0x31: {  	[smem:$0x3FAE] =	sst s10  }
0x32: {  	s10 =	sld [smem:$0x3FAC];
	_ =	sdelay $0x3  }
0x33: {  	p0 =	seq.s32 s10, $0x1;
	s10 =	sld [smem:$0x3FAE];
	_ =	sdelay $0x3  }
0x34: {  	[smem:$0x3FAE] =	sst s10  }
0x35: {  	s10 =	sld [smem:$0x3FAD];
	_ =	sdelay $0x3  }
0x36: {  	p1 =	seq.s32 s10, $0x1;
	s10 =	sld [smem:$0x3FAE];
	_ =	sdelay $0x3  }
0x37: {  	[smem:$0x3FAE] =	sst s10  }
0x38: {  	s10 =	sld [smem:$0x3FAF]  }
0x39: {  	_ = 	snop;
	(pc) =	sbr.ind lr, $3  }
0x3a: {  	_ = 	snop  }
0x3b: {  	_ = 	snop  }
0x3c: {  	p2 =	seq.s32 s10, $0x1;
	s10 =	sld [smem:$0x3FAE]  }
0x3d: {  	_ =	shalt  }
0x3e: {  	_ =	shalt  }
0x3f: {  	_ =	shalt  }
0x40: {  	_ =	shalt  }
0x41: {  	_ =	shalt  }
0x42: {  	_ =	shalt  }
0x43: {  	_ =	shalt  }
0x44: {  	_ =	shalt  }
0x45: {  	_ =	shalt  }
0x46: {  	_ =	shalt  }
0x47: {  	_ =	shalt  }
0x48: {  	_ =	shalt  }
0x49: {  	_ =	shalt  }
0x4a: {  	_ =	shalt  }
0x4b: {  	_ =	shalt  }
0x4c: {  	_ =	shalt  }
0x4d: {  	_ =	shalt  }
0x4e: {  	_ =	shalt  }
0x4f: {  	_ =	shalt  }
0x50: {  	_ =	shalt  }
0x51: {  	_ =	shalt  }
0x52: {  	_ =	shalt  }
0x53: {  	_ =	shalt  }
0x54: {  	_ =	shalt  }
0x55: {  	_ =	shalt  }
0x56: {  	_ =	shalt  }
0x57: {  	_ =	shalt  }
0x58: {  	_ =	shalt  }
0x59: {  	_ =	shalt  }
0x5a: {  	_ =	shalt  }
0x5b: {  	_ =	shalt  }
0x5c: {  	_ =	shalt  }
0x5d: {  	_ =	shalt  }
0x5e: {  	_ =	shalt  }
0x5f: {  	_ =	shalt  }
0x60: {  	_ =	shalt  }
0x61: {  	_ =	shalt  }
0x62: {  	_ =	shalt  }
0x63: {  	_ =	shalt  }
0x64: {  	_ =	shalt  }
0x65: {  	_ =	shalt  }
0x66: {  	_ =	shalt  }
0x67: {  	_ =	shalt  }
0x68: {  	_ =	shalt  }
0x69: {  	_ =	shalt  }
0x6a: {  	_ =	shalt  }
0x6b: {  	_ =	shalt  }
0x6c: {  	_ =	shalt  }
0x6d: {  	_ =	shalt  }
0x6e: {  	_ =	shalt  }
0x6f: {  	_ =	shalt  }
0x70: {  	_ =	shalt  }
0x71: {  	_ =	shalt  }
0x72: {  	_ =	shalt  }
0x73: {  	_ =	shalt  }
0x74: {  	_ =	shalt  }
0x75: {  	_ =	shalt  }
0x76: {  	_ =	shalt  }
0x77: {  	_ =	shalt  }
0x78: {  	_ =	shalt  }
0x79: {  	_ =	shalt  }
0x7a: {  	_ =	shalt  }
0x7b: {  	_ =	shalt  }
0x7c: {  	_ =	shalt  }
0x7d: {  	_ =	shalt  }
0x7e: {  	_ =	shalt  }
0x7f: {  	_ =	shalt  }
0x80: {  	_ =	shalt  }
0x81: {  	_ =	shalt  }
0x82: {  	_ =	shalt  }
0x83: {  	_ =	shalt  }
0x84: {  	_ =	shalt  }
0x85: {  	_ =	shalt  }
0x86: {  	_ =	shalt  }
0x87: {  	_ =	shalt  }
.Lfunc_end0:
.L_simem_size_0:
called_computation_lowered:
.L_overlay_start_0:
0x88: {  	s2 =	sld [smem:$0x3FD9]  }
0x89: {  	s3 =	sld [smem:$0x3FFE];
	_ =	sdelay $0x1  }
0x8a: {  	s1 =	srdreg.scid  }
0x8b: {  	s0 =	sand.u32 $0x1, s1  }
0x8c: {  	s15 =	sshll.u32 s0, $0xA;
	s2 =	sadd.s32 s3, s2  }
0x8d: {  	s2 =	sadd.s32 s2, s15  }
0x8e: {  	[smem:$0x3FBA] =	sst s2  }
0x8f: {  	_ = 	snop  }
0x90: {  	s2 =	sld [smem:$0x3FD0];
	_ =	sdelay $0x1  }
0x91: {  	s16 =	sld [smem:$0x3FC5]  }
0x92: {  	s5 =	simm.s32 $0xC;
	s6 =	simm.s32 $0x10;
	s4 =	sld [smem:$0x3FC3]  }
0x93: {  	[smem:s6], [sflag:s5] =	dma.local [hbm:s2], $0x1  }
0x94: {  	_ =	swait.eq [sflag:s5], $0x1  }
0x95: {  	[sflag:s5] =	ssyncset.done $0x0  }
0x96: {  	[sflag:s5] =	ssyncadd.s32 $0xFFFFFFFF  }
0x97: {  	s17 =	sld [smem:$0x10];
	(tm) =	ssettm $0x1  }
0x98: {  	s18 =	sld [smem:$0x3FFB];
	_ =	sdelay $0x3  }
0x99: {  	_ =	strace s18  }
0x9a: {  	s5 =	sld [smem:$0x3FFC];
	_ =	sdelay $0x3  }
0x9b: {  	_ =	strace s5  }
0x9c: {  	s5 =	sld [smem:$0x3FFD];
	_ =	sdelay $0x3  }
0x9d: {  	_ =	strace s5  }
0x9e: {  	_ =	strace $0x8FFFFFFF  }
0x9f: {  	s19 =	sld [smem:$0x3FDB];
	_ =	sdelay $0x1  }
0xa0: {  	s20 =	simm.s32 $_scs_section_size  }
0xa1: {  	s7 =	simm.s32 $_size__tile_overlayer_lowered;
	s8 =	simm.s32 $_tile_overlayer_lowered  }
0xa2: {  	s23 =	simm.s32 $0x1BFF;
	s22 =	sshll.u32 s8, $0x1;
	s5 =	sadd.s32 s20, s19  }
0xa3: {  	s9 =	simm.s32 $0x0;
	s21 =	sshll.u32 s7, $0x1;
	s7 =	sadd.s32 s22, s5  }
0xa4: {  	[timem:s9], [sflag:s23] =	dma.local [hbm:s7], s21  }
0xa5: {  	_ =	swait.ge [sflag:s23], s21  }
0xa6: {  	s6 =	ssub.s32 $0x0, s21;
	[sflag:s23] =	ssyncset.done $0x0  }
0xa7: {  	[sflag:s23] =	ssyncadd.s32 s6;
	_ =	sdelay $0x1  }
0xa8: {  	s24 =	simm.s32 $0x1B8B  }
0xa9: {  	_ =	swait.ge [sflag:s24], $0x1  }
0xaa: {  	[sflag:s24] =	ssyncset.done $0x0  }
0xab: {  	s25 =	simm.s32 $0x1B8E;
	[sflag:s24] =	ssyncadd.s32 $0xFFFFFFFF  }
0xac: {  	s26 =	simm.s32 $execute0_lowered;
	[smem:$0x3FD2] =	sst s25  }
0xad: {  	s6 =	sshll.u32 s26, $0x1;
	_ =	strace $0x80000046;
	[dreg:$0x1] =	wrdreg $0xFFFFFFFF  }
0xae: {  	s28 =	simm.s32 $_size_execute0_lowered;
	s5 =	sadd.s32 s5, s6;
	[dreg:$0x0] =	wrdreg $0x0  }
0xaf: {  	s6 =	sshll.u32 s28, $0x1;
	[dreg:$0x2] =	wrdreg s5  }
0xb0: {  	[dreg:$0x3] =	wrdreg s6  }
0xb1: {  	[dreg:$0x4] =	wrdreg $0xC0  }
0xb2: {  	_ =	task [dreg:s9], $0x5FFFF  }
0xb3: {  	[dreg:$0x1] =	wrdreg $0xFFFFFFFF  }
0xb4: {  	[dreg:$0x0] =	wrdreg $0x60  }
0xb5: {  	[dreg:$0x2] =	wrdreg s4  }
0xb6: {  	[dreg:$0x3] =	wrdreg s16  }
0xb7: {  	[dreg:$0x4] =	wrdreg s17  }
0xb8: {  	[dreg:$0x5] =	wrdreg $0x9  }
0xb9: {  	_ =	task.clear_ibuf [dreg:s9], $0x6FFFF;
	_ =	strace $0x90000046  }
0xba: {  	s29 =	simm.s32 $0x9;
	_ =	strace $0x80000048  }
0xbb: {  	_ =	swait.ge [sflag:s29], $0x1  }
0xbc: {  	[sflag:s29] =	ssyncadd.s32 $0xFFFFFFFF  }
0xbd: {  	_ =	strace $0x90000048  }
0xbe: {  	_ =	sfence  }
0xbf: {  	s30 =	sld [smem:$0x0];
	_ =	sdelay $0x2  }
0xc0: {  	s31 =	sshll.u32 s1, $0xD;
	s1 =	sshrl.u32 s1, $0x2  }
0xc1: {  	s3 =	sand.u32 $0x4000, s31;
	s1 =	sadd.s32 s1, s30  }
0xc2: {  	s0 =	sor.u32 s3, s0;
	s1 =	sshll.u32 s1, $0x11  }
0xc3: {  	s0 =	sor.u32 s1, s0  }
0xc4: {  	s0 =	sadd.s32 $0x8F2B, s0  }
0xc5: {  	[sflag:s0] =	ssyncadd.remote.s32 $0x1  }
0xc6: {  	_ =	sfence.sel $0xFFFF  }
0xc7: {  	[dreg:$0x0] =	wrdreg $0xFFFFFFFF;
	(pc) =	sbr.abs _section_cstart, $3  }
0xc8: {  	[dreg:$0x1] =	wrdreg $0xFFFFFFFF  }
0xc9: {  	_ =	task.clear_ibuf [dreg:s9], $0x2FFFF;
	_ =	strace $0x9FFFFFFF  }
0xca: {  	(tm) =	ssettm $0x7FFFFFFF  }
0xcb: {  	_ =	shalt  }
tec
execute0_lowered:
.L_overlay_start_1:
0x0: {  	(tag) =	ssettag $0x1  }
0x1: {  	s4 =	rddreg [dreg:$0x0]  }
0x2: {  	s2 =	rddreg [dreg:$0x1]  }
0x3: {  	s8 =	rddreg [dreg:$0x2];
	s3 =	srdreg.scid  }
0x4: {  	s0 =	rddreg [dreg:$0x3];
	s1 =	stileid.u32;
	s6 =	sand.u32 $0x1, s3  }
0x5: {  	s3 =	simm.s32 $0x0;
	s5 =	sshll.u32 s1, $0x8;
	s7 =	sshll.u32 s6, $0x7  }
0x6: {  	[smem:$0x7FF] =	sst s3;
	s10 =	ssub.s32 $0x2, s6;
	s9 =	sor.u32 s7, s5  }
0x7: {  	_ =	strace $0x80000047;
	s5 =	sadd.s32 s4, s9;
	s4 =	simm.s32 $0x2  }
0x8: {  	[tilespmem:s3], [sflag:$0x2] =	stream.linear.gather [hbm4b:s5+s3], $0x400, $0x38;
	[tilespmem:$0x800] =	vst v63  }
0x9: {  	s11 =	sshrl.u32 s10, $0x1;
	_ =	swait.ge [sflag:s4], $0x400  }
0xa: {  	s6 =	simm.s32 $0x400;
	s10 =	ssub.s32 s10, s11;
	[sflag:s4] =	ssyncset.done $0x0  }
0xb: {  	s7 =	simm.s32 $0x1;
	s31 =	smax.u32 s10, $0x1;
	[sflag:s4] =	ssyncadd.s32 $0xFFFFFC00  }
0xc: {  	[tilespmem:s6], [sflag:$0x1] =	stream.indirect.gather [hbm4b:s2+s6], $0x1, s3, s6, $0xb8;
	[tilespmem:$0x800] =	vst v63  }
0xd: {  	p0 =	sne.s32 s31, $0x1;
	_ =	swait.ge [sflag:s7], $0x400  }
.Ltmp0:
0xe: {  	[sflag:s7] =	ssyncset.done $0x0;
	(pc) =	sbr.rel @!p0 .LBB2_2-.Ltmp0, $4  }
0xf: {  	s8 =	sadd.s32 s8, s9;
	[sflag:s7] =	ssyncadd.s32 $0xFFFFFC00  }
0x10: {  	[hbm4b:s8+s3] =	stream.linear.scatter [tilespmem:s6], [sflag:$0x2], $0x400, $0x38;
	[tilespmem:$0x800] =	vst v63  }
0x11: {  	_ =	swait.ge [sflag:s4], $0x400  }
0x12: {  	s9 =	sadd.s32 $0xFFFFFFFF, s31;
	[sflag:s4] =	ssyncset.done $0x0  }
.LBB2_1:
0x13: {  	p0 =	sne.s32 s9, $0x1;
	s9 =	sadd.s32 $0xFFFFFFFF, s9;
	[sflag:s4] =	ssyncadd.s32 $0xFFFFFC00  }
0x14: {  	[tilespmem:s3], [sflag:$0x2] =	stream.linear.gather [hbm4b:s5+s3], $0x400, $0x38;
	[tilespmem:$0x800] =	vst v63  }
0x15: {  	_ =	swait.ge [sflag:s4], $0x400  }
0x16: {  	[sflag:s4] =	ssyncset.done $0x0  }
0x17: {  	[sflag:s4] =	ssyncadd.s32 $0xFFFFFC00  }
0x18: {  	[tilespmem:s6], [sflag:$0x1] =	stream.indirect.gather [hbm4b:s2+s6], $0x1, s3, s6, $0xb8;
	[tilespmem:$0x800] =	vst v63  }
0x19: {  	_ =	swait.ge [sflag:s7], $0x400  }
.Ltmp1:
0x1a: {  	[sflag:s7] =	ssyncset.done $0x0;
	(pc) =	sbr.rel @p0 .LBB2_1-.Ltmp1, $4  }
0x1b: {  	[sflag:s7] =	ssyncadd.s32 $0xFFFFFC00  }
0x1c: {  	[hbm4b:s8+s3] =	stream.linear.scatter [tilespmem:s6], [sflag:$0x2], $0x400, $0x38;
	[tilespmem:$0x800] =	vst v63  }
0x1d: {  	_ =	swait.ge [sflag:s4], $0x400  }
0x1e: {  	[sflag:s4] =	ssyncset.done $0x0  }
.LBB2_2:
0x1f: {  	[sflag:s4] =	ssyncadd.s32 $0xFFFFFC00  }
0x20: {  	_ =	sfence.sel $0x180000  }
0x21: {  	[bflag:$0x0] =	sbarrier.arrive $0xFFFF  }
0x22: {  	p0 =	sne.s32 s1, $0x0;
	_ =	strace $0x90000047  }
0x23: {  	s0 =	sadd.s32 @!p0 $0x100000, s0;
	[bflag:$0x2] =	sbarrier.arrive $0xFFFF  }
0x24: {  	[sflag:s0] =	ssyncadd.tile.s32 @!p0 $0x1;
	_ =	shalt  }
.Lfunc_end2:
_tile_overlayer_lowered:
.L_overlay_start_2:
0x25: {  	(tag) =	ssettag $0x2  }
0x26: {  	s0 =	rddreg [dreg:$0x0];
	s2 =	stileid.u32  }
0x27: {  	s1 =	rddreg [dreg:$0x1];
	p0 =	sne.s32 s2, $0x0  }
0x28: {  	s3 =	rddreg [dreg:$0x2];
	[bflag:$0x3] =	sbarrier.arrive $0xFFFF;
	s2 =	simm.s32 @!p0 $0x1C02  }
0x29: {  	[timem:s3], [sflag:s2] =	dma.local @!p0 [hbm:s0], s1  }
0x2a: {  	s0 =	simm.s32 @!p0 $0x2  }
0x2b: {  	_ =	swait.ge @!p0 [sflag:s0], s1  }
0x2c: {  	s1 =	ssub.s32 @!p0 $0x0, s1;
	[sflag:s0] =	ssyncset.done @!p0 $0x0  }
0x2d: {  	[sflag:s0] =	ssyncadd.s32 @!p0 s1  }
0x2e: {  	[bflag:$0x3] =	sbarrier.arrive $0xFFFF  }
0x2f: {  	_ =	shalt  }

</sc_bundles>
